<compile_context>
chip_gen: v7x
topology: tpu7x:2x2x1
jax: 0.10.2.dev20260603
libtpu: 0.0.44.dev20260713+nightly
codegen_flags: <defaults>
</compile_context>

<pallas_src>
import functools

import jax
import jax.numpy as jnp
from jax import lax
from jax.experimental import pallas as pl
from jax.experimental.pallas import tpu as pltpu
from jax.experimental.pallas import tpu_sc as plsc

N = 10000
E = 160000
D = 256
H = 128
NS = 16
NC = 2
K = 48
NCHUNK = 209
EPT = K * NCHUNK
EP = EPT * NS
NP = 10240
ROWS_PT = NP // NS

_BN = 1000
_NB = N // _BN


def _precompute_body(x_ref, w_ref, b_ref, ab_ref):
    ab_ref[...] = (
        jnp.dot(x_ref[...].astype(jnp.bfloat16), w_ref[...].astype(jnp.bfloat16),
                preferred_element_type=jnp.float32)
        + b_ref[0]
    )


def _precompute(x, w1, bias2):
    return pl.pallas_call(
        _precompute_body,
        grid=(2, NC, _NB),
        in_specs=[
            pl.BlockSpec((_BN, D), lambda m, c, i: (i, 0)),
            pl.BlockSpec((D, H), lambda m, c, i: (m, c)),
            pl.BlockSpec((1, 1, H), lambda m, c, i: (m, 0, c)),
        ],
        out_specs=pl.BlockSpec((_BN, H), lambda m, c, i: (m * 2 * _NB + c * _NB + i, 0)),
        out_shape=jax.ShapeDtypeStruct((4 * N, H), jnp.float32),
    )(x, w1, bias2)


CB = NP // H


def _edge_body(sadj_hbm, dadj_hbm, dst_hbm, easp_hbm, ab_hbm, w_hbm, zero_hbm,
               out_hbm,
               srcv0, dadjv0, draw0, easp0, ar0, br0,
               srcv1, dadjv1, draw1, easp1, ar1, br1,
               wv, hacc,
               semi0, sema0, semb0, semi1, semb1a, semb1b):
    c = lax.axis_index("c")
    s = lax.axis_index("s")
    bufs = [
        (srcv0, dadjv0, draw0, easp0, ar0, br0, semi0, sema0, semb0),
        (srcv1, dadjv1, draw1, easp1, ar1, br1, semi1, semb1a, semb1b),
    ]

    pltpu.sync_copy(zero_hbm, hacc.at[pl.ds(s * ROWS_PT, ROWS_PT)])
    pltpu.sync_copy(w_hbm.at[pl.ds(c * H, H)], wv)

    wjs = [wv[pl.ds(j * 16, 16)] for j in range(H // 16)]

    plsc.subcore_barrier()

    def fire_idx(b, k):
        srcv, dadjv, draw, easpv, *_rest, semi, _sa, _sb = bufs[b]
        base = s * EPT + k * K
        return [
            pltpu.async_copy(sadj_hbm.at[pl.ds(c * EP + base, K)], srcv, semi),
            pltpu.async_copy(dadj_hbm.at[pl.ds(c * EP + base, K)], dadjv, semi),
            pltpu.async_copy(dst_hbm.at[pl.ds(base, K)], draw, semi),
            pltpu.async_copy(easp_hbm.at[pl.ds(base, K)], easpv, semi),
        ]

    def fire_gather(b):
        srcv, dadjv, _draw, _easpv, ar, br, _si, sema, semb = bufs[b]
        pltpu.async_copy(ab_hbm.at[srcv], ar, sema)
        pltpu.async_copy(ab_hbm.at[dadjv], br, semb)

    def wait_gather(b):
        srcv, dadjv, _draw, _easpv, ar, br, _si, sema, semb = bufs[b]
        pltpu.make_async_copy(ab_hbm.at[srcv], ar, sema).wait()
        pltpu.make_async_copy(ab_hbm.at[dadjv], br, semb).wait()

    def compute_scatter(b):
        _srcv, _dadjv, draw, easpv, ar, br, *_sems = bufs[b]

        @pl.loop(0, K)
        def _row(r):
            ev = easpv[r, pl.ds(0, 16)]
            for j in range(H // 16):
                sl = pl.ds(j * 16, 16)
                ar[r, sl] = jnp.maximum(ar[r, sl] + br[r, sl] + ev * wjs[j], 0.0)

        pltpu.sync_copy(ar, hacc.at[draw], add=True)

    def phase(cur, k):
        nxt = 1 - cur
        descs = fire_idx(nxt, k + 1)
        wait_gather(cur)
        compute_scatter(cur)
        for d in descs:
            d.wait()
        fire_gather(nxt)

    for d in fire_idx(0, 0):
        d.wait()
    fire_gather(0)

    @pl.loop(0, (NCHUNK - 1) // 2)
    def _pair(g):
        phase(0, 2 * g)
        phase(1, 2 * g + 1)

    wait_gather(0)
    compute_scatter(0)

    plsc.subcore_barrier()
    pltpu.sync_copy(
        hacc.at[pl.ds(s * ROWS_PT, ROWS_PT)],
        out_hbm.at[pl.ds(c * NP + s * ROWS_PT, ROWS_PT)],
    )


@functools.cache
def _edge_kernel_fn():
    return pl.kernel(
        _edge_body,
        out_type=jax.ShapeDtypeStruct((2 * NP, H), jnp.float32),
        mesh=plsc.VectorSubcoreMesh(
            core_axis_name="c", subcore_axis_name="s", num_cores=NC, num_subcores=NS
        ),
        compiler_params=pltpu.CompilerParams(needs_layout_passes=False),
        scratch_types=(
            [
                pltpu.VMEM((K,), jnp.int32),
                pltpu.VMEM((K,), jnp.int32),
                pltpu.VMEM((K,), jnp.int32),
                pltpu.VMEM((K, 16), jnp.float32),
                pltpu.VMEM((K, H), jnp.float32),
                pltpu.VMEM((K, H), jnp.float32),
            ] * 2
            + [
                pltpu.VMEM((H,), jnp.float32),
                pltpu.VMEM_SHARED((NP, H), jnp.float32),
            ]
            + [pltpu.SemaphoreType.DMA] * 6
        ),
    )


ECT = EP // (NC * NS)
KC = 152


def _count_body(dst_hbm, zero_hbm, cnt_hbm, dbuf, ones_rows, cacc):
    c = lax.axis_index("c")
    s = lax.axis_index("s")
    pltpu.sync_copy(zero_hbm, cacc.at[pl.ds(s * ROWS_PT, ROWS_PT)])

    ones = jnp.full((16,), 1.0, jnp.float32)

    @pl.loop(0, KC)
    def _orow(r):
        for j in range(H // 16):
            ones_rows[r, pl.ds(j * 16, 16)] = ones

    plsc.subcore_barrier()
    base_t = (s * NC + c) * ECT

    @pl.loop(0, ECT // KC)
    def _chunk(k):
        pltpu.sync_copy(dst_hbm.at[pl.ds(base_t + k * KC, KC)], dbuf)
        pltpu.sync_copy(ones_rows, cacc.at[dbuf], add=True)

    plsc.subcore_barrier()
    pltpu.sync_copy(
        cacc.at[pl.ds(s * ROWS_PT, ROWS_PT)],
        cnt_hbm.at[pl.ds(c * NP + s * ROWS_PT, ROWS_PT)],
    )


@functools.cache
def _count_kernel_fn():
    return pl.kernel(
        _count_body,
        out_type=jax.ShapeDtypeStruct((2 * NP, H), jnp.float32),
        mesh=plsc.VectorSubcoreMesh(
            core_axis_name="c", subcore_axis_name="s", num_cores=NC, num_subcores=NS
        ),
        compiler_params=pltpu.CompilerParams(needs_layout_passes=False),
        scratch_types=[
            pltpu.VMEM((KC,), jnp.int32),
            pltpu.VMEM((KC, H), jnp.float32),
            pltpu.VMEM_SHARED((NP, H), jnp.float32),
        ],
    )


def _final_body(h0, h1, c0, c1, a0, a1, b0, b1, x_ref, wrow, mW2, mb2,
                uW1a, uW1b, ub1, uW2, ub2, scale, beta, out_ref):
    a = jnp.concatenate([a0[...], a1[...]], axis=1).astype(jnp.float32)
    b = jnp.concatenate([b0[...], b1[...]], axis=1).astype(jnp.float32)
    hself = jnp.maximum(a + b + wrow[...], 0.0)
    hsum = jnp.concatenate([h0[...], h1[...]], axis=1) + hself
    cnt = c0[...] + c1[...] + 1.0
    bf = jnp.bfloat16
    aggr = (
        jnp.dot(hsum.astype(bf), mW2[...].astype(bf),
                preferred_element_type=jnp.float32) / cnt
        + mb2[...]
    )
    x = x_ref[...]
    u = jnp.maximum(
        jnp.dot(x.astype(bf), uW1a[...].astype(bf),
                preferred_element_type=jnp.float32)
        + jnp.dot(aggr.astype(bf), uW1b[...].astype(bf),
                  preferred_element_type=jnp.float32)
        + ub1[...],
        0.0,
    )
    o = (jnp.dot(u.astype(bf), uW2[...].astype(bf),
                 preferred_element_type=jnp.float32) + ub2[...] + x)
    out_ref[...] = jnp.maximum(o * scale[...] + beta[...], 0.0)


def _final(h0, h1, c0, c1, ab, x, wrow, mW2, mb2, uW1a, uW1b, ub1, uW2, ub2,
           scale, beta):
    full = lambda r, c: pl.BlockSpec((r, c), lambda i: (0, 0))
    return pl.pallas_call(
        _final_body,
        grid=(_NB,),
        in_specs=[
            pl.BlockSpec((_BN, H), lambda i: (i, 0)),
            pl.BlockSpec((_BN, H), lambda i: (i, 0)),
            pl.BlockSpec((_BN, 1), lambda i: (i, 0)),
            pl.BlockSpec((_BN, 1), lambda i: (i, 0)),
            pl.BlockSpec((_BN, H), lambda i: (i, 0)),
            pl.BlockSpec((_BN, H), lambda i: (_NB + i, 0)),
            pl.BlockSpec((_BN, H), lambda i: (2 * _NB + i, 0)),
            pl.BlockSpec((_BN, H), lambda i: (3 * _NB + i, 0)),
            pl.BlockSpec((_BN, D), lambda i: (i, 0)),
            full(1, D), full(D, D), full(1, D),
            full(D, D), full(D, D), full(1, D),
            full(D, D), full(1, D), full(1, D), full(1, D),
        ],
        out_specs=pl.BlockSpec((_BN, D), lambda i: (i, 0)),
        out_shape=jax.ShapeDtypeStruct((N, D), jnp.float32),
    )(h0, h1, c0, c1, ab, ab, ab, ab, x, wrow, mW2, mb2,
      uW1a, uW1b, ub1, uW2, ub2, scale, beta)


def kernel(x, edge_index, edge_attr, mW1, mb1, mW2, mb2, uW1, ub1, uW2, ub2,
           gamma, beta):
    ei = edge_index.astype(jnp.int32)
    src = ei[0]
    dst = ei[1]
    pad = EP - E
    srcp = jnp.concatenate([src, jnp.zeros((pad,), jnp.int32)])
    dstz = jnp.concatenate([dst, jnp.zeros((pad,), jnp.int32)])
    dstp = jnp.concatenate([dst, jnp.full((pad,), N, jnp.int32)])
    sadj = jnp.concatenate([srcp, srcp + N])
    dadj = jnp.concatenate([dstz + 2 * N, dstz + 3 * N])
    easp = jnp.concatenate([
        jnp.broadcast_to(edge_attr.astype(jnp.float32), (E, 16)),
        jnp.zeros((pad, 16), jnp.float32)])
    w1 = mW1[: 2 * D]
    wrow = mW1[2 * D][None, :]
    bias2 = jnp.concatenate(
        [jnp.zeros((1, D), jnp.float32), mb1[None, :]], axis=0
    ).reshape(2, 1, D)
    zero = jnp.zeros((ROWS_PT, H), jnp.float32)

    cnt_out = _count_kernel_fn()(dstp, zero)
    ab = _precompute(x, w1, bias2)
    hagg = _edge_kernel_fn()(sadj, dadj, dstp, easp, ab, mW1[2 * D], zero)
    h0 = hagg[:N]
    h1 = hagg[NP:NP + N]
    c0 = cnt_out[:N, :1]
    c1 = cnt_out[NP:NP + N, :1]
    scale = (gamma / jnp.sqrt(1.0 + 1e-5))[None, :]
    return _final(h0, h1, c0, c1, ab, x, wrow, mW2, mb2[None, :],
                  uW1[:D], uW1[D:], ub1[None, :], uW2, ub2[None, :],
                  scale, beta[None, :])

# --- scband reference (transcript-rebuilt; emitter-appended) ---
"""Pipeline reference for scband-residual-causal-layer-41137196761320 (READ-ONLY COPY).

The authoritative reference and input builder live on the scoring server;
editing this copy changes nothing except your own understanding.
"""

import jax, jax.numpy as jnp
import numpy as np

N_NODES = 10000
N_EDGES = 160000
D = 256

def _xavier(key, shape):
    fan_in, fan_out = shape[0], shape[1]
    limit = float(np.sqrt(6.0 / (fan_in + fan_out)))
    return jax.random.uniform(key, shape, dtype=jnp.float32, minval=-limit, maxval=limit)

def setup_inputs(seed: int = 0) -> dict:
    key = jax.random.key(seed)
    ks = jax.random.split(key, 12)
    x = jax.random.normal(ks[0], (N_NODES, D), dtype=jnp.float32)
    edge_index = jax.random.randint(ks[1], (2, N_EDGES), 0, N_NODES, dtype=jnp.int64)
    edge_attr = jax.random.uniform(ks[2], (N_EDGES, 1), dtype=jnp.float32)
    # message_nn: Linear(2D+1 -> D), ReLU, Linear(D -> D)
    mW1 = _xavier(ks[3], (2 * D + 1, D)); mb1 = jnp.zeros((D,), jnp.float32)
    mW2 = _xavier(ks[4], (D, D));          mb2 = jnp.zeros((D,), jnp.float32)
    # update_nn: Linear(2D -> D), ReLU, Linear(D -> D)
    uW1 = _xavier(ks[5], (2 * D, D));      ub1 = jnp.zeros((D,), jnp.float32)
    uW2 = _xavier(ks[6], (D, D));          ub2 = jnp.zeros((D,), jnp.float32)
    # BatchNorm1d params (eval mode: running_mean=0, running_var=1)
    gamma = jnp.ones((D,), jnp.float32)
    beta = jnp.zeros((D,), jnp.float32)
    return {"x": x, "edge_index": edge_index, "edge_attr": edge_attr,
            "mW1": mW1, "mb1": mb1, "mW2": mW2, "mb2": mb2,
            "uW1": uW1, "ub1": ub1, "uW2": uW2, "ub2": ub2,
            "gamma": gamma, "beta": beta}

def reference(x, edge_index, edge_attr, mW1, mb1, mW2, mb2, uW1, ub1, uW2, ub2, gamma, beta):
    N = x.shape[0]
    # add self loops with fill_value=1.0 for edge_attr
    loop = jnp.arange(N, dtype=edge_index.dtype)
    ei = jnp.concatenate([edge_index, jnp.stack([loop, loop], axis=0)], axis=1)
    ea = jnp.concatenate([edge_attr, jnp.ones((N, 1), dtype=edge_attr.dtype)], axis=0)
    src = ei[0]
    dst = ei[1]
    x_j = jnp.take(x, src, axis=0)  # source features
    x_i = jnp.take(x, dst, axis=0)  # target features
    # message MLP
    msg_in = jnp.concatenate([x_j, x_i, ea], axis=-1)
    h = jax.nn.relu(msg_in @ mW1 + mb1)
    msg = h @ mW2 + mb2
    # mean aggregation at dst
    summed = jax.ops.segment_sum(msg, dst, num_segments=N)
    cnt = jax.ops.segment_sum(jnp.ones((ei.shape[1],), jnp.float32), dst, num_segments=N)
    aggr = summed / jnp.clip(cnt, 1.0)[:, None]
    # update MLP
    upd_in = jnp.concatenate([x, aggr], axis=-1)
    u = jax.nn.relu(upd_in @ uW1 + ub1)
    out = u @ uW2 + ub2
    # residual
    out = out + x
    # BatchNorm1d in eval mode (running_mean=0, running_var=1)
    out = (out / jnp.sqrt(1.0 + 1e-5)) * gamma + beta
    out = jax.nn.relu(out)
    # dropout is identity in eval mode
    return out

if __name__ == "__main__":
    import jax
    _d = setup_inputs()
    print(jax.jit(kernel)(*tuple(_d.values())))

</pallas_src>

<mosaic_0001>
#map = affine_map<(d0, d1) -> (0)>
#map1 = affine_map<(d0, d1) -> (0, 0)>
module attributes {stable_mosaic.version = 14 : i64} {
  func.func @_count_body(%arg0: i32, %arg1: i32, %arg2: memref<160512xi32, #tpu.memory_space<hbm>>, %arg3: memref<640x128xf32, #tpu.memory_space<hbm>>, %arg4: memref<20480x128xf32, #tpu.memory_space<hbm>>, %arg5: memref<152xi32, #tpu.memory_space<vmem>>, %arg6: memref<152x128xf32, #tpu.memory_space<vmem>>, %arg7: memref<10240x128xf32, #tpu.memory_space<vmem_shared>>) attributes {dimension_semantics = [#tpu.dimension_semantics<core_parallel>, #tpu.dimension_semantics<subcore_parallel>], iteration_bounds = array<i64: 2, 16>, scalar_prefetch = 0 : i64, scratch_operands = 3 : i64, tpu.core_type = #tpu.core_type<sc_vector_subcore>, window_params = [{transform_indices = #map}, {transform_indices = #map1}, {transform_indices = #map1}]} {
    %mul3A = arith.constant 640 : i32
    %mul3A_0 = arith.muli %arg1, %mul3A : i32
    "tpu.region"() ({
      %run_scoped3A = tpu.sem_alloc : memref<!tpu.dma_semaphore, #tpu.memory_space<semaphore_mem>>
      %dma_start3A = arith.constant 0 : i32
      %dma_start3A_23 = tpu.memref_slice %arg7[%mul3A_0, %dma_start3A] : memref<10240x128xf32, #tpu.memory_space<vmem_shared>> -> memref<640x128xf32, #tpu.memory_space<vmem_shared>>
      tpu.enqueue_dma source(%arg3 : memref<640x128xf32, #tpu.memory_space<hbm>>) target(%dma_start3A_23 : memref<640x128xf32, #tpu.memory_space<vmem_shared>>) target_semaphore(%run_scoped3A : memref<!tpu.dma_semaphore, #tpu.memory_space<semaphore_mem>>)
      %dma_wait3A = arith.constant 0 : i32
      %dma_wait3A_24 = tpu.memref_slice %arg7[%mul3A_0, %dma_wait3A] : memref<10240x128xf32, #tpu.memory_space<vmem_shared>> -> memref<640x128xf32, #tpu.memory_space<vmem_shared>>
      tpu.wait_dma2 semaphore(%run_scoped3A : memref<!tpu.dma_semaphore, #tpu.memory_space<semaphore_mem>>) src(%arg3 : memref<640x128xf32, #tpu.memory_space<hbm>>) dst(%dma_wait3A_24 : memref<640x128xf32, #tpu.memory_space<vmem_shared>>)
      tpu.yield
    }) : () -> ()
    %broadcast_in_dim3A = arith.constant 1.000000e+00 : f32
    %broadcast_in_dim3A_1 = vector.broadcast %broadcast_in_dim3A : f32 to vector<16xf32>
    %scan3A = arith.constant 0 : i32
    %scan3A_2 = arith.constant 152 : i32
    %scan3A_3 = arith.addi %scan3A, %scan3A_2 : i32
    %scan3A_4 = arith.constant 1 : i32
    scf.for %scan3A_23 = %scan3A to %scan3A_3 step %scan3A_4  : i32 {
      %mul3A_24 = arith.constant 1 : i32
      %mul3A_25 = arith.muli %scan3A_23, %mul3A_24 : i32
      %add3A_26 = arith.constant 0 : i32
      %add3A_27 = arith.addi %add3A_26, %mul3A_25 : i32
      %swap3A = arith.index_cast %add3A_27 : i32 to index
      %swap3A_28 = arith.constant 0 : index
      %swap3A_29 = tpu.vector_load %arg6[%swap3A, %swap3A_28] {strides = array<i32>} : memref<152x128xf32, #tpu.memory_space<vmem>>, vector<16xf32>,
      tpu.vector_store %arg6[%swap3A, %swap3A_28], %broadcast_in_dim3A_1 {strides = array<i32>} : memref<152x128xf32, #tpu.memory_space<vmem>>, vector<16xf32>,
      %swap3A_30 = arith.index_cast %add3A_27 : i32 to index
      %swap3A_31 = arith.constant 16 : index
      %swap3A_32 = tpu.vector_load %arg6[%swap3A_30, %swap3A_31] {strides = array<i32>} : memref<152x128xf32, #tpu.memory_space<vmem>>, vector<16xf32>,
      tpu.vector_store %arg6[%swap3A_30, %swap3A_31], %broadcast_in_dim3A_1 {strides = array<i32>} : memref<152x128xf32, #tpu.memory_space<vmem>>, vector<16xf32>,
      %swap3A_33 = arith.index_cast %add3A_27 : i32 to index
      %swap3A_34 = arith.constant 32 : index
      %swap3A_35 = tpu.vector_load %arg6[%swap3A_33, %swap3A_34] {strides = array<i32>} : memref<152x128xf32, #tpu.memory_space<vmem>>, vector<16xf32>,
      tpu.vector_store %arg6[%swap3A_33, %swap3A_34], %broadcast_in_dim3A_1 {strides = array<i32>} : memref<152x128xf32, #tpu.memory_space<vmem>>, vector<16xf32>,
      %swap3A_36 = arith.index_cast %add3A_27 : i32 to index
      %swap3A_37 = arith.constant 48 : index
      %swap3A_38 = tpu.vector_load %arg6[%swap3A_36, %swap3A_37] {strides = array<i32>} : memref<152x128xf32, #tpu.memory_space<vmem>>, vector<16xf32>,
      tpu.vector_store %arg6[%swap3A_36, %swap3A_37], %broadcast_in_dim3A_1 {strides = array<i32>} : memref<152x128xf32, #tpu.memory_space<vmem>>, vector<16xf32>,
      %swap3A_39 = arith.index_cast %add3A_27 : i32 to index
      %swap3A_40 = arith.constant 64 : index
      %swap3A_41 = tpu.vector_load %arg6[%swap3A_39, %swap3A_40] {strides = array<i32>} : memref<152x128xf32, #tpu.memory_space<vmem>>, vector<16xf32>,
      tpu.vector_store %arg6[%swap3A_39, %swap3A_40], %broadcast_in_dim3A_1 {strides = array<i32>} : memref<152x128xf32, #tpu.memory_space<vmem>>, vector<16xf32>,
      %swap3A_42 = arith.index_cast %add3A_27 : i32 to index
      %swap3A_43 = arith.constant 80 : index
      %swap3A_44 = tpu.vector_load %arg6[%swap3A_42, %swap3A_43] {strides = array<i32>} : memref<152x128xf32, #tpu.memory_space<vmem>>, vector<16xf32>,
      tpu.vector_store %arg6[%swap3A_42, %swap3A_43], %broadcast_in_dim3A_1 {strides = array<i32>} : memref<152x128xf32, #tpu.memory_space<vmem>>, vector<16xf32>,
      %swap3A_45 = arith.index_cast %add3A_27 : i32 to index
      %swap3A_46 = arith.constant 96 : index
      %swap3A_47 = tpu.vector_load %arg6[%swap3A_45, %swap3A_46] {strides = array<i32>} : memref<152x128xf32, #tpu.memory_space<vmem>>, vector<16xf32>,
      tpu.vector_store %arg6[%swap3A_45, %swap3A_46], %broadcast_in_dim3A_1 {strides = array<i32>} : memref<152x128xf32, #tpu.memory_space<vmem>>, vector<16xf32>,
      %swap3A_48 = arith.index_cast %add3A_27 : i32 to index
      %swap3A_49 = arith.constant 112 : index
      %swap3A_50 = tpu.vector_load %arg6[%swap3A_48, %swap3A_49] {strides = array<i32>} : memref<152x128xf32, #tpu.memory_space<vmem>>, vector<16xf32>,
      tpu.vector_store %arg6[%swap3A_48, %swap3A_49], %broadcast_in_dim3A_1 {strides = array<i32>} : memref<152x128xf32, #tpu.memory_space<vmem>>, vector<16xf32>,
    }
    %scan3A_5 = arith.constant 152 : i32
    %barrier3A = arith.constant 0 : index
    tpu.barrier barrier_id(%barrier3A)
    %mul3A_6 = arith.constant 2 : i32
    %mul3A_7 = arith.muli %arg1, %mul3A_6 : i32
    %add3A = arith.addi %mul3A_7, %arg0 : i32
    %mul3A_8 = arith.constant 5016 : i32
    %mul3A_9 = arith.muli %add3A, %mul3A_8 : i32
    %scan3A_10 = arith.constant 0 : i32
    %scan3A_11 = arith.constant 33 : i32
    %scan3A_12 = arith.addi %scan3A_10, %scan3A_11 : i32
    %scan3A_13 = arith.constant 1 : i32
    scf.for %scan3A_23 = %scan3A_10 to %scan3A_12 step %scan3A_13  : i32 {
      %mul3A_24 = arith.constant 1 : i32
      %mul3A_25 = arith.muli %scan3A_23, %mul3A_24 : i32
      %add3A_26 = arith.constant 0 : i32
      %add3A_27 = arith.addi %add3A_26, %mul3A_25 : i32
      %mul3A_28 = arith.constant 152 : i32
      %mul3A_29 = arith.muli %add3A_27, %mul3A_28 : i32
      %add3A_30 = arith.addi %mul3A_9, %mul3A_29 : i32
      "tpu.region"() ({
        %run_scoped3A = tpu.sem_alloc : memref<!tpu.dma_semaphore, #tpu.memory_space<semaphore_mem>>
        %dma_start3A = tpu.memref_slice %arg2[%add3A_30] : memref<160512xi32, #tpu.memory_space<hbm>> -> memref<152xi32, #tpu.memory_space<hbm>>
        %dma_start3A_31 = tpu.memref_slice %arg2[%add3A_30] : memref<160512xi32, #tpu.memory_space<hbm>> -> memref<152xi32, #tpu.memory_space<hbm>>
        tpu.enqueue_dma source(%dma_start3A_31 : memref<152xi32, #tpu.memory_space<hbm>>) target(%arg5 : memref<152xi32, #tpu.memory_space<vmem>>) target_semaphore(%run_scoped3A : memref<!tpu.dma_semaphore, #tpu.memory_space<semaphore_mem>>)
        %dma_wait3A = tpu.memref_slice %arg2[%add3A_30] : memref<160512xi32, #tpu.memory_space<hbm>> -> memref<152xi32, #tpu.memory_space<hbm>>
        %dma_wait3A_32 = tpu.memref_slice %arg2[%add3A_30] : memref<160512xi32, #tpu.memory_space<hbm>> -> memref<152xi32, #tpu.memory_space<hbm>>
        tpu.wait_dma2 semaphore(%run_scoped3A : memref<!tpu.dma_semaphore, #tpu.memory_space<semaphore_mem>>) src(%dma_wait3A_32 : memref<152xi32, #tpu.memory_space<hbm>>) dst(%arg5 : memref<152xi32, #tpu.memory_space<vmem>>)
        tpu.yield
      }) : () -> ()
      "tpu.region"() ({
        %run_scoped3A = tpu.sem_alloc : memref<!tpu.dma_semaphore, #tpu.memory_space<semaphore_mem>>
        %dma_start3A = arith.constant 0 : i32
        %dma_start3A_31 = arith.constant 0 : i32
        %dma_start3A_32 = tpu.memref_slice %arg7[%dma_start3A, %dma_start3A_31] : memref<10240x128xf32, #tpu.memory_space<vmem_shared>> -> memref<10240x128xf32, #tpu.memory_space<vmem_shared>>
        tpu.enqueue_indirect_dma source(%arg6 : memref<152x128xf32, #tpu.memory_space<vmem>>) target(%dma_start3A_32 : memref<10240x128xf32, #tpu.memory_space<vmem_shared>>) offsets(%arg5 : memref<152xi32, #tpu.memory_space<vmem>>) semaphore(%run_scoped3A : memref<!tpu.dma_semaphore, #tpu.memory_space<semaphore_mem>>) {add = true}
        %dma_wait3A = arith.constant 0 : i32
        %dma_wait3A_33 = arith.constant 0 : i32
        %dma_wait3A_34 = tpu.memref_slice %arg7[%dma_wait3A, %dma_wait3A_33] : memref<10240x128xf32, #tpu.memory_space<vmem_shared>> -> memref<10240x128xf32, #tpu.memory_space<vmem_shared>>
        tpu.wait_indirect_dma semaphore(%run_scoped3A : memref<!tpu.dma_semaphore, #tpu.memory_space<semaphore_mem>>) src(%arg6 : memref<152x128xf32, #tpu.memory_space<vmem>>) dst(%dma_wait3A_34 : memref<10240x128xf32, #tpu.memory_space<vmem_shared>>)
        tpu.yield
      }) : () -> ()
    }
    %scan3A_14 = arith.constant 33 : i32
    %barrier3A_15 = arith.constant 0 : index
    tpu.barrier barrier_id(%barrier3A_15)
    %mul3A_16 = arith.constant 640 : i32
    %mul3A_17 = arith.muli %arg1, %mul3A_16 : i32
    %mul3A_18 = arith.constant 10240 : i32
    %mul3A_19 = arith.muli %arg0, %mul3A_18 : i32
    %mul3A_20 = arith.constant 640 : i32
    %mul3A_21 = arith.muli %arg1, %mul3A_20 : i32
    %add3A_22 = arith.addi %mul3A_19, %mul3A_21 : i32
    "tpu.region"() ({
      %run_scoped3A = tpu.sem_alloc : memref<!tpu.dma_semaphore, #tpu.memory_space<semaphore_mem>>
      %dma_start3A = arith.constant 0 : i32
      %dma_start3A_23 = tpu.memref_slice %arg4[%add3A_22, %dma_start3A] : memref<20480x128xf32, #tpu.memory_space<hbm>> -> memref<640x128xf32, #tpu.memory_space<hbm>>
      %dma_start3A_24 = arith.constant 0 : i32
      %dma_start3A_25 = tpu.memref_slice %arg7[%mul3A_17, %dma_start3A_24] : memref<10240x128xf32, #tpu.memory_space<vmem_shared>> -> memref<640x128xf32, #tpu.memory_space<vmem_shared>>
      tpu.enqueue_dma source(%dma_start3A_25 : memref<640x128xf32, #tpu.memory_space<vmem_shared>>) target(%dma_start3A_23 : memref<640x128xf32, #tpu.memory_space<hbm>>) target_semaphore(%run_scoped3A : memref<!tpu.dma_semaphore, #tpu.memory_space<semaphore_mem>>)
      %dma_wait3A = arith.constant 0 : i32
      %dma_wait3A_26 = tpu.memref_slice %arg4[%add3A_22, %dma_wait3A] : memref<20480x128xf32, #tpu.memory_space<hbm>> -> memref<640x128xf32, #tpu.memory_space<hbm>>
      %dma_wait3A_27 = arith.constant 0 : i32
      %dma_wait3A_28 = tpu.memref_slice %arg7[%mul3A_17, %dma_wait3A_27] : memref<10240x128xf32, #tpu.memory_space<vmem_shared>> -> memref<640x128xf32, #tpu.memory_space<vmem_shared>>
      tpu.wait_dma2 semaphore(%run_scoped3A : memref<!tpu.dma_semaphore, #tpu.memory_space<semaphore_mem>>) src(%dma_wait3A_28 : memref<640x128xf32, #tpu.memory_space<vmem_shared>>) dst(%dma_wait3A_26 : memref<640x128xf32, #tpu.memory_space<hbm>>)
      tpu.yield
    }) : () -> ()
    return
  }
}

#map = affine_map<(d0, d1) -> (0)>
#map1 = affine_map<(d0, d1) -> (0, 0)>
module attributes {stable_mosaic.version = 14 : i64} {
  func.func @_edge_body(%arg0: i32, %arg1: i32, %arg2: memref<321024xi32, #tpu.memory_space<hbm>>, %arg3: memref<321024xi32, #tpu.memory_space<hbm>>, %arg4: memref<160512xi32, #tpu.memory_space<hbm>>, %arg5: memref<160512x16xf32, #tpu.memory_space<hbm>>, %arg6: memref<40000x128xf32, #tpu.memory_space<hbm>>, %arg7: memref<256xf32, #tpu.memory_space<hbm>>, %arg8: memref<640x128xf32, #tpu.memory_space<hbm>>, %arg9: memref<20480x128xf32, #tpu.memory_space<hbm>>, %arg10: memref<48xi32, #tpu.memory_space<vmem>>, %arg11: memref<48xi32, #tpu.memory_space<vmem>>, %arg12: memref<48xi32, #tpu.memory_space<vmem>>, %arg13: memref<48x16xf32, #tpu.memory_space<vmem>>, %arg14: memref<48x128xf32, #tpu.memory_space<vmem>>, %arg15: memref<48x128xf32, #tpu.memory_space<vmem>>, %arg16: memref<48xi32, #tpu.memory_space<vmem>>, %arg17: memref<48xi32, #tpu.memory_space<vmem>>, %arg18: memref<48xi32, #tpu.memory_space<vmem>>, %arg19: memref<48x16xf32, #tpu.memory_space<vmem>>, %arg20: memref<48x128xf32, #tpu.memory_space<vmem>>, %arg21: memref<48x128xf32, #tpu.memory_space<vmem>>, %arg22: memref<128xf32, #tpu.memory_space<vmem>>, %arg23: memref<10240x128xf32, #tpu.memory_space<vmem_shared>>, %arg24: memref<!tpu.dma_semaphore, #tpu.memory_space<semaphore_mem>>, %arg25: memref<!tpu.dma_semaphore, #tpu.memory_space<semaphore_mem>>, %arg26: memref<!tpu.dma_semaphore, #tpu.memory_space<semaphore_mem>>, %arg27: memref<!tpu.dma_semaphore, #tpu.memory_space<semaphore_mem>>, %arg28: memref<!tpu.dma_semaphore, #tpu.memory_space<semaphore_mem>>, %arg29: memref<!tpu.dma_semaphore, #tpu.memory_space<semaphore_mem>>) attributes {dimension_semantics = [#tpu.dimension_semantics<core_parallel>, #tpu.dimension_semantics<subcore_parallel>], iteration_bounds = array<i64: 2, 16>, scalar_prefetch = 0 : i64, scratch_operands = 20 : i64, tpu.core_type = #tpu.core_type<sc_vector_subcore>, window_params = [{transform_indices = #map}, {transform_indices = #map}, {transform_indices = #map}, {transform_indices = #map1}, {transform_indices = #map1}, {transform_indices = #map}, {transform_indices = #map1}, {transform_indices = #map1}]} {
    %mul3A = arith.constant 640 : i32
    %mul3A_0 = arith.muli %arg1, %mul3A : i32
    "tpu.region"() ({
      %run_scoped3A = tpu.sem_alloc : memref<!tpu.dma_semaphore, #tpu.memory_space<semaphore_mem>>
      %dma_start3A_74 = arith.constant 0 : i32
      %dma_start3A_75 = tpu.memref_slice %arg23[%mul3A_0, %dma_start3A_74] : memref<10240x128xf32, #tpu.memory_space<vmem_shared>> -> memref<640x128xf32, #tpu.memory_space<vmem_shared>>
      tpu.enqueue_dma source(%arg8 : memref<640x128xf32, #tpu.memory_space<hbm>>) target(%dma_start3A_75 : memref<640x128xf32, #tpu.memory_space<vmem_shared>>) target_semaphore(%run_scoped3A : memref<!tpu.dma_semaphore, #tpu.memory_space<semaphore_mem>>)
      %dma_wait3A_76 = arith.constant 0 : i32
      %dma_wait3A_77 = tpu.memref_slice %arg23[%mul3A_0, %dma_wait3A_76] : memref<10240x128xf32, #tpu.memory_space<vmem_shared>> -> memref<640x128xf32, #tpu.memory_space<vmem_shared>>
      tpu.wait_dma2 semaphore(%run_scoped3A : memref<!tpu.dma_semaphore, #tpu.memory_space<semaphore_mem>>) src(%arg8 : memref<640x128xf32, #tpu.memory_space<hbm>>) dst(%dma_wait3A_77 : memref<640x128xf32, #tpu.memory_space<vmem_shared>>)
      tpu.yield
    }) : () -> ()
    %mul3A_1 = arith.constant 128 : i32
    %mul3A_2 = arith.muli %arg0, %mul3A_1 : i32
    "tpu.region"() ({
      %run_scoped3A = tpu.sem_alloc : memref<!tpu.dma_semaphore, #tpu.memory_space<semaphore_mem>>
      %dma_start3A_74 = tpu.memref_slice %arg7[%mul3A_2] : memref<256xf32, #tpu.memory_space<hbm>> -> memref<128xf32, #tpu.memory_space<hbm>>
      %dma_start3A_75 = tpu.memref_slice %arg7[%mul3A_2] : memref<256xf32, #tpu.memory_space<hbm>> -> memref<128xf32, #tpu.memory_space<hbm>>
      tpu.enqueue_dma source(%dma_start3A_75 : memref<128xf32, #tpu.memory_space<hbm>>) target(%arg22 : memref<128xf32, #tpu.memory_space<vmem>>) target_semaphore(%run_scoped3A : memref<!tpu.dma_semaphore, #tpu.memory_space<semaphore_mem>>)
      %dma_wait3A_76 = tpu.memref_slice %arg7[%mul3A_2] : memref<256xf32, #tpu.memory_space<hbm>> -> memref<128xf32, #tpu.memory_space<hbm>>
      %dma_wait3A_77 = tpu.memref_slice %arg7[%mul3A_2] : memref<256xf32, #tpu.memory_space<hbm>> -> memref<128xf32, #tpu.memory_space<hbm>>
      tpu.wait_dma2 semaphore(%run_scoped3A : memref<!tpu.dma_semaphore, #tpu.memory_space<semaphore_mem>>) src(%dma_wait3A_77 : memref<128xf32, #tpu.memory_space<hbm>>) dst(%arg22 : memref<128xf32, #tpu.memory_space<vmem>>)
      tpu.yield
    }) : () -> ()
    %get3A = arith.constant 0 : index
    %get3A_3 = tpu.vector_load %arg22[%get3A] {strides = array<i32>} : memref<128xf32, #tpu.memory_space<vmem>>, vector<16xf32>,
    %get3A_4 = arith.constant 16 : index
    %get3A_5 = tpu.vector_load %arg22[%get3A_4] {strides = array<i32>} : memref<128xf32, #tpu.memory_space<vmem>>, vector<16xf32>,
    %get3A_6 = arith.constant 32 : index
    %get3A_7 = tpu.vector_load %arg22[%get3A_6] {strides = array<i32>} : memref<128xf32, #tpu.memory_space<vmem>>, vector<16xf32>,
    %get3A_8 = arith.constant 48 : index
    %get3A_9 = tpu.vector_load %arg22[%get3A_8] {strides = array<i32>} : memref<128xf32, #tpu.memory_space<vmem>>, vector<16xf32>,
    %get3A_10 = arith.constant 64 : index
    %get3A_11 = tpu.vector_load %arg22[%get3A_10] {strides = array<i32>} : memref<128xf32, #tpu.memory_space<vmem>>, vector<16xf32>,
    %get3A_12 = arith.constant 80 : index
    %get3A_13 = tpu.vector_load %arg22[%get3A_12] {strides = array<i32>} : memref<128xf32, #tpu.memory_space<vmem>>, vector<16xf32>,
    %get3A_14 = arith.constant 96 : index
    %get3A_15 = tpu.vector_load %arg22[%get3A_14] {strides = array<i32>} : memref<128xf32, #tpu.memory_space<vmem>>, vector<16xf32>,
    %get3A_16 = arith.constant 112 : index
    %get3A_17 = tpu.vector_load %arg22[%get3A_16] {strides = array<i32>} : memref<128xf32, #tpu.memory_space<vmem>>, vector<16xf32>,
    %barrier3A = arith.constant 0 : index
    tpu.barrier barrier_id(%barrier3A)
    %mul3A_18 = arith.constant 10032 : i32
    %mul3A_19 = arith.muli %arg1, %mul3A_18 : i32
    %add3A = arith.constant 0 : i32
    %add3A_20 = arith.addi %mul3A_19, %add3A : i32
    %mul3A_21 = arith.constant 160512 : i32
    %mul3A_22 = arith.muli %arg0, %mul3A_21 : i32
    %add3A_23 = arith.addi %mul3A_22, %add3A_20 : i32
    %dma_start3A = tpu.memref_slice %arg2[%add3A_23] : memref<321024xi32, #tpu.memory_space<hbm>> -> memref<48xi32, #tpu.memory_space<hbm>>
    %dma_start3A_24 = tpu.memref_slice %arg2[%add3A_23] : memref<321024xi32, #tpu.memory_space<hbm>> -> memref<48xi32, #tpu.memory_space<hbm>>
    tpu.enqueue_dma source(%dma_start3A_24 : memref<48xi32, #tpu.memory_space<hbm>>) target(%arg10 : memref<48xi32, #tpu.memory_space<vmem>>) target_semaphore(%arg24 : memref<!tpu.dma_semaphore, #tpu.memory_space<semaphore_mem>>)
    %mul3A_25 = arith.constant 160512 : i32
    %mul3A_26 = arith.muli %arg0, %mul3A_25 : i32
    %add3A_27 = arith.addi %mul3A_26, %add3A_20 : i32
    %dma_start3A_28 = tpu.memref_slice %arg3[%add3A_27] : memref<321024xi32, #tpu.memory_space<hbm>> -> memref<48xi32, #tpu.memory_space<hbm>>
    %dma_start3A_29 = tpu.memref_slice %arg3[%add3A_27] : memref<321024xi32, #tpu.memory_space<hbm>> -> memref<48xi32, #tpu.memory_space<hbm>>
    tpu.enqueue_dma source(%dma_start3A_29 : memref<48xi32, #tpu.memory_space<hbm>>) target(%arg11 : memref<48xi32, #tpu.memory_space<vmem>>) target_semaphore(%arg24 : memref<!tpu.dma_semaphore, #tpu.memory_space<semaphore_mem>>)
    %dma_start3A_30 = tpu.memref_slice %arg4[%add3A_20] : memref<160512xi32, #tpu.memory_space<hbm>> -> memref<48xi32, #tpu.memory_space<hbm>>
    %dma_start3A_31 = tpu.memref_slice %arg4[%add3A_20] : memref<160512xi32, #tpu.memory_space<hbm>> -> memref<48xi32, #tpu.memory_space<hbm>>
    tpu.enqueue_dma source(%dma_start3A_31 : memref<48xi32, #tpu.memory_space<hbm>>) target(%arg12 : memref<48xi32, #tpu.memory_space<vmem>>) target_semaphore(%arg24 : memref<!tpu.dma_semaphore, #tpu.memory_space<semaphore_mem>>)
    %dma_start3A_32 = arith.constant 0 : i32
    %dma_start3A_33 = tpu.memref_slice %arg5[%add3A_20, %dma_start3A_32] : memref<160512x16xf32, #tpu.memory_space<hbm>> -> memref<48x16xf32, #tpu.memory_space<hbm>>
    %dma_start3A_34 = arith.constant 0 : i32
    %dma_start3A_35 = tpu.memref_slice %arg5[%add3A_20, %dma_start3A_34] : memref<160512x16xf32, #tpu.memory_space<hbm>> -> memref<48x16xf32, #tpu.memory_space<hbm>>
    tpu.enqueue_dma source(%dma_start3A_35 : memref<48x16xf32, #tpu.memory_space<hbm>>) target(%arg13 : memref<48x16xf32, #tpu.memory_space<vmem>>) target_semaphore(%arg24 : memref<!tpu.dma_semaphore, #tpu.memory_space<semaphore_mem>>)
    %dma_wait3A = tpu.memref_slice %arg2[%add3A_23] : memref<321024xi32, #tpu.memory_space<hbm>> -> memref<48xi32, #tpu.memory_space<hbm>>
    %dma_wait3A_36 = tpu.memref_slice %arg2[%add3A_23] : memref<321024xi32, #tpu.memory_space<hbm>> -> memref<48xi32, #tpu.memory_space<hbm>>
    tpu.wait_dma2 semaphore(%arg24 : memref<!tpu.dma_semaphore, #tpu.memory_space<semaphore_mem>>) src(%dma_wait3A_36 : memref<48xi32, #tpu.memory_space<hbm>>) dst(%arg10 : memref<48xi32, #tpu.memory_space<vmem>>)
    %dma_wait3A_37 = tpu.memref_slice %arg3[%add3A_27] : memref<321024xi32, #tpu.memory_space<hbm>> -> memref<48xi32, #tpu.memory_space<hbm>>
    %dma_wait3A_38 = tpu.memref_slice %arg3[%add3A_27] : memref<321024xi32, #tpu.memory_space<hbm>> -> memref<48xi32, #tpu.memory_space<hbm>>
    tpu.wait_dma2 semaphore(%arg24 : memref<!tpu.dma_semaphore, #tpu.memory_space<semaphore_mem>>) src(%dma_wait3A_38 : memref<48xi32, #tpu.memory_space<hbm>>) dst(%arg11 : memref<48xi32, #tpu.memory_space<vmem>>)
    %dma_wait3A_39 = tpu.memref_slice %arg4[%add3A_20] : memref<160512xi32, #tpu.memory_space<hbm>> -> memref<48xi32, #tpu.memory_space<hbm>>
    %dma_wait3A_40 = tpu.memref_slice %arg4[%add3A_20] : memref<160512xi32, #tpu.memory_space<hbm>> -> memref<48xi32, #tpu.memory_space<hbm>>
    tpu.wait_dma2 semaphore(%arg24 : memref<!tpu.dma_semaphore, #tpu.memory_space<semaphore_mem>>) src(%dma_wait3A_40 : memref<48xi32, #tpu.memory_space<hbm>>) dst(%arg12 : memref<48xi32, #tpu.memory_space<vmem>>)
    %dma_wait3A_41 = arith.constant 0 : i32
    %dma_wait3A_42 = tpu.memref_slice %arg5[%add3A_20, %dma_wait3A_41] : memref<160512x16xf32, #tpu.memory_space<hbm>> -> memref<48x16xf32, #tpu.memory_space<hbm>>
    %dma_wait3A_43 = arith.constant 0 : i32
    %dma_wait3A_44 = tpu.memref_slice %arg5[%add3A_20, %dma_wait3A_43] : memref<160512x16xf32, #tpu.memory_space<hbm>> -> memref<48x16xf32, #tpu.memory_space<hbm>>
    tpu.wait_dma2 semaphore(%arg24 : memref<!tpu.dma_semaphore, #tpu.memory_space<semaphore_mem>>) src(%dma_wait3A_44 : memref<48x16xf32, #tpu.memory_space<hbm>>) dst(%arg13 : memref<48x16xf32, #tpu.memory_space<vmem>>)
    %dma_start3A_45 = arith.constant 0 : i32
    %dma_start3A_46 = arith.constant 0 : i32
    %dma_start3A_47 = tpu.memref_slice %arg6[%dma_start3A_45, %dma_start3A_46] : memref<40000x128xf32, #tpu.memory_space<hbm>> -> memref<40000x128xf32, #tpu.memory_space<hbm>>
    tpu.enqueue_indirect_dma source(%dma_start3A_47 : memref<40000x128xf32, #tpu.memory_space<hbm>>) target(%arg14 : memref<48x128xf32, #tpu.memory_space<vmem>>) offsets(%arg10 : memref<48xi32, #tpu.memory_space<vmem>>) semaphore(%arg25 : memref<!tpu.dma_semaphore, #tpu.memory_space<semaphore_mem>>)
    %dma_start3A_48 = arith.constant 0 : i32
    %dma_start3A_49 = arith.constant 0 : i32
    %dma_start3A_50 = tpu.memref_slice %arg6[%dma_start3A_48, %dma_start3A_49] : memref<40000x128xf32, #tpu.memory_space<hbm>> -> memref<40000x128xf32, #tpu.memory_space<hbm>>
    tpu.enqueue_indirect_dma source(%dma_start3A_50 : memref<40000x128xf32, #tpu.memory_space<hbm>>) target(%arg15 : memref<48x128xf32, #tpu.memory_space<vmem>>) offsets(%arg11 : memref<48xi32, #tpu.memory_space<vmem>>) semaphore(%arg26 : memref<!tpu.dma_semaphore, #tpu.memory_space<semaphore_mem>>)
    %scan3A = arith.constant 0 : i32
    %scan3A_51 = arith.constant 104 : i32
    %scan3A_52 = arith.addi %scan3A, %scan3A_51 : i32
    %scan3A_53 = arith.constant 1 : i32
    scf.for %scan3A_74 = %scan3A to %scan3A_52 step %scan3A_53  : i32 {
      %mul3A_75 = arith.constant 1 : i32
      %mul3A_76 = arith.muli %scan3A_74, %mul3A_75 : i32
      %add3A_77 = arith.constant 0 : i32
      %add3A_78 = arith.addi %add3A_77, %mul3A_76 : i32
      %mul3A_79 = arith.constant 2 : i32
      %mul3A_80 = arith.muli %mul3A_79, %add3A_78 : i32
      %add3A_81 = arith.constant 1 : i32
      %add3A_82 = arith.addi %mul3A_80, %add3A_81 : i32
      %mul3A_83 = arith.constant 10032 : i32
      %mul3A_84 = arith.muli %arg1, %mul3A_83 : i32
      %mul3A_85 = arith.constant 48 : i32
      %mul3A_86 = arith.muli %add3A_82, %mul3A_85 : i32
      %add3A_87 = arith.addi %mul3A_84, %mul3A_86 : i32
      %mul3A_88 = arith.constant 160512 : i32
      %mul3A_89 = arith.muli %arg0, %mul3A_88 : i32
      %add3A_90 = arith.addi %mul3A_89, %add3A_87 : i32
      %dma_start3A_91 = tpu.memref_slice %arg2[%add3A_90] : memref<321024xi32, #tpu.memory_space<hbm>> -> memref<48xi32, #tpu.memory_space<hbm>>
      %dma_start3A_92 = tpu.memref_slice %arg2[%add3A_90] : memref<321024xi32, #tpu.memory_space<hbm>> -> memref<48xi32, #tpu.memory_space<hbm>>
      tpu.enqueue_dma source(%dma_start3A_92 : memref<48xi32, #tpu.memory_space<hbm>>) target(%arg16 : memref<48xi32, #tpu.memory_space<vmem>>) target_semaphore(%arg27 : memref<!tpu.dma_semaphore, #tpu.memory_space<semaphore_mem>>)
      %mul3A_93 = arith.constant 160512 : i32
      %mul3A_94 = arith.muli %arg0, %mul3A_93 : i32
      %add3A_95 = arith.addi %mul3A_94, %add3A_87 : i32
      %dma_start3A_96 = tpu.memref_slice %arg3[%add3A_95] : memref<321024xi32, #tpu.memory_space<hbm>> -> memref<48xi32, #tpu.memory_space<hbm>>
      %dma_start3A_97 = tpu.memref_slice %arg3[%add3A_95] : memref<321024xi32, #tpu.memory_space<hbm>> -> memref<48xi32, #tpu.memory_space<hbm>>
      tpu.enqueue_dma source(%dma_start3A_97 : memref<48xi32, #tpu.memory_space<hbm>>) target(%arg17 : memref<48xi32, #tpu.memory_space<vmem>>) target_semaphore(%arg27 : memref<!tpu.dma_semaphore, #tpu.memory_space<semaphore_mem>>)
      %dma_start3A_98 = tpu.memref_slice %arg4[%add3A_87] : memref<160512xi32, #tpu.memory_space<hbm>> -> memref<48xi32, #tpu.memory_space<hbm>>
      %dma_start3A_99 = tpu.memref_slice %arg4[%add3A_87] : memref<160512xi32, #tpu.memory_space<hbm>> -> memref<48xi32, #tpu.memory_space<hbm>>
      tpu.enqueue_dma source(%dma_start3A_99 : memref<48xi32, #tpu.memory_space<hbm>>) target(%arg18 : memref<48xi32, #tpu.memory_space<vmem>>) target_semaphore(%arg27 : memref<!tpu.dma_semaphore, #tpu.memory_space<semaphore_mem>>)
      %dma_start3A_100 = arith.constant 0 : i32
      %dma_start3A_101 = tpu.memref_slice %arg5[%add3A_87, %dma_start3A_100] : memref<160512x16xf32, #tpu.memory_space<hbm>> -> memref<48x16xf32, #tpu.memory_space<hbm>>
      %dma_start3A_102 = arith.constant 0 : i32
      %dma_start3A_103 = tpu.memref_slice %arg5[%add3A_87, %dma_start3A_102] : memref<160512x16xf32, #tpu.memory_space<hbm>> -> memref<48x16xf32, #tpu.memory_space<hbm>>
      tpu.enqueue_dma source(%dma_start3A_103 : memref<48x16xf32, #tpu.memory_space<hbm>>) target(%arg19 : memref<48x16xf32, #tpu.memory_space<vmem>>) target_semaphore(%arg27 : memref<!tpu.dma_semaphore, #tpu.memory_space<semaphore_mem>>)
      %dma_wait3A_104 = arith.constant 0 : i32
      %dma_wait3A_105 = arith.constant 0 : i32
      %dma_wait3A_106 = tpu.memref_slice %arg6[%dma_wait3A_104, %dma_wait3A_105] : memref<40000x128xf32, #tpu.memory_space<hbm>> -> memref<40000x128xf32, #tpu.memory_space<hbm>>
      tpu.wait_indirect_dma semaphore(%arg25 : memref<!tpu.dma_semaphore, #tpu.memory_space<semaphore_mem>>) src(%dma_wait3A_106 : memref<40000x128xf32, #tpu.memory_space<hbm>>) dst(%arg14 : memref<48x128xf32, #tpu.memory_space<vmem>>)
      %dma_wait3A_107 = arith.constant 0 : i32
      %dma_wait3A_108 = arith.constant 0 : i32
      %dma_wait3A_109 = tpu.memref_slice %arg6[%dma_wait3A_107, %dma_wait3A_108] : memref<40000x128xf32, #tpu.memory_space<hbm>> -> memref<40000x128xf32, #tpu.memory_space<hbm>>
      tpu.wait_indirect_dma semaphore(%arg26 : memref<!tpu.dma_semaphore, #tpu.memory_space<semaphore_mem>>) src(%dma_wait3A_109 : memref<40000x128xf32, #tpu.memory_space<hbm>>) dst(%arg15 : memref<48x128xf32, #tpu.memory_space<vmem>>)
      %scan3A_110 = arith.constant 0 : i32
      %scan3A_111 = arith.constant 48 : i32
      %scan3A_112 = arith.addi %scan3A_110, %scan3A_111 : i32
      %scan3A_113 = arith.constant 1 : i32
      scf.for %scan3A_185 = %scan3A_110 to %scan3A_112 step %scan3A_113  : i32 {
        %mul3A_186 = arith.constant 1 : i32
        %mul3A_187 = arith.muli %scan3A_185, %mul3A_186 : i32
        %add3A_188 = arith.constant 0 : i32
        %add3A_189 = arith.addi %add3A_188, %mul3A_187 : i32
        %get3A_190 = arith.index_cast %add3A_189 : i32 to index
        %get3A_191 = arith.constant 0 : index
        %get3A_192 = tpu.vector_load %arg13[%get3A_190, %get3A_191] {strides = array<i32>} : memref<48x16xf32, #tpu.memory_space<vmem>>, vector<16xf32>,
        %get3A_193 = arith.index_cast %add3A_189 : i32 to index
        %get3A_194 = arith.constant 0 : index
        %get3A_195 = tpu.vector_load %arg14[%get3A_193, %get3A_194] {strides = array<i32>} : memref<48x128xf32, #tpu.memory_space<vmem>>, vector<16xf32>,
        %get3A_196 = arith.index_cast %add3A_189 : i32 to index
        %get3A_197 = arith.constant 0 : index
        %get3A_198 = tpu.vector_load %arg15[%get3A_196, %get3A_197] {strides = array<i32>} : memref<48x128xf32, #tpu.memory_space<vmem>>, vector<16xf32>,
        %add3A_199 = arith.addf %get3A_195, %get3A_198 : vector<16xf32>
        %mul3A_200 = arith.mulf %get3A_192, %get3A_3 : vector<16xf32>
        %add3A_201 = arith.addf %add3A_199, %mul3A_200 : vector<16xf32>
        %max3A = arith.constant 0.000000e+00 : f32
        %max3A_202 = vector.broadcast %max3A : f32 to vector<16xf32>
        %max3A_203 = arith.maximumf %add3A_201, %max3A_202 : vector<16xf32>
        %swap3A = arith.index_cast %add3A_189 : i32 to index
        %swap3A_204 = arith.constant 0 : index
        %swap3A_205 = tpu.vector_load %arg14[%swap3A, %swap3A_204] {strides = array<i32>} : memref<48x128xf32, #tpu.memory_space<vmem>>, vector<16xf32>,
        tpu.vector_store %arg14[%swap3A, %swap3A_204], %max3A_203 {strides = array<i32>} : memref<48x128xf32, #tpu.memory_space<vmem>>, vector<16xf32>,
        %get3A_206 = arith.index_cast %add3A_189 : i32 to index
        %get3A_207 = arith.constant 16 : index
        %get3A_208 = tpu.vector_load %arg14[%get3A_206, %get3A_207] {strides = array<i32>} : memref<48x128xf32, #tpu.memory_space<vmem>>, vector<16xf32>,
        %get3A_209 = arith.index_cast %add3A_189 : i32 to index
        %get3A_210 = arith.constant 16 : index
        %get3A_211 = tpu.vector_load %arg15[%get3A_209, %get3A_210] {strides = array<i32>} : memref<48x128xf32, #tpu.memory_space<vmem>>, vector<16xf32>,
        %add3A_212 = arith.addf %get3A_208, %get3A_211 : vector<16xf32>
        %mul3A_213 = arith.mulf %get3A_192, %get3A_5 : vector<16xf32>
        %add3A_214 = arith.addf %add3A_212, %mul3A_213 : vector<16xf32>
        %max3A_215 = arith.constant 0.000000e+00 : f32
        %max3A_216 = vector.broadcast %max3A_215 : f32 to vector<16xf32>
        %max3A_217 = arith.maximumf %add3A_214, %max3A_216 : vector<16xf32>
        %swap3A_218 = arith.index_cast %add3A_189 : i32 to index
        %swap3A_219 = arith.constant 16 : index
        %swap3A_220 = tpu.vector_load %arg14[%swap3A_218, %swap3A_219] {strides = array<i32>} : memref<48x128xf32, #tpu.memory_space<vmem>>, vector<16xf32>,
        tpu.vector_store %arg14[%swap3A_218, %swap3A_219], %max3A_217 {strides = array<i32>} : memref<48x128xf32, #tpu.memory_space<vmem>>, vector<16xf32>,
        %get3A_221 = arith.index_cast %add3A_189 : i32 to index
        %get3A_222 = arith.constant 32 : index
        %get3A_223 = tpu.vector_load %arg14[%get3A_221, %get3A_222] {strides = array<i32>} : memref<48x128xf32, #tpu.memory_space<vmem>>, vector<16xf32>,
        %get3A_224 = arith.index_cast %add3A_189 : i32 to index
        %get3A_225 = arith.constant 32 : index
        %get3A_226 = tpu.vector_load %arg15[%get3A_224, %get3A_225] {strides = array<i32>} : memref<48x128xf32, #tpu.memory_space<vmem>>, vector<16xf32>,
        %add3A_227 = arith.addf %get3A_223, %get3A_226 : vector<16xf32>
        %mul3A_228 = arith.mulf %get3A_192, %get3A_7 : vector<16xf32>
        %add3A_229 = arith.addf %add3A_227, %mul3A_228 : vector<16xf32>
        %max3A_230 = arith.constant 0.000000e+00 : f32
        %max3A_231 = vector.broadcast %max3A_230 : f32 to vector<16xf32>
        %max3A_232 = arith.maximumf %add3A_229, %max3A_231 : vector<16xf32>
        %swap3A_233 = arith.index_cast %add3A_189 : i32 to index
        %swap3A_234 = arith.constant 32 : index
        %swap3A_235 = tpu.vector_load %arg14[%swap3A_233, %swap3A_234] {strides = array<i32>} : memref<48x128xf32, #tpu.memory_space<vmem>>, vector<16xf32>,
        tpu.vector_store %arg14[%swap3A_233, %swap3A_234], %max3A_232 {strides = array<i32>} : memref<48x128xf32, #tpu.memory_space<vmem>>, vector<16xf32>,
        %get3A_236 = arith.index_cast %add3A_189 : i32 to index
        %get3A_237 = arith.constant 48 : index
        %get3A_238 = tpu.vector_load %arg14[%get3A_236, %get3A_237] {strides = array<i32>} : memref<48x128xf32, #tpu.memory_space<vmem>>, vector<16xf32>,
        %get3A_239 = arith.index_cast %add3A_189 : i32 to index
        %get3A_240 = arith.constant 48 : index
        %get3A_241 = tpu.vector_load %arg15[%get3A_239, %get3A_240] {strides = array<i32>} : memref<48x128xf32, #tpu.memory_space<vmem>>, vector<16xf32>,
        %add3A_242 = arith.addf %get3A_238, %get3A_241 : vector<16xf32>
        %mul3A_243 = arith.mulf %get3A_192, %get3A_9 : vector<16xf32>
        %add3A_244 = arith.addf %add3A_242, %mul3A_243 : vector<16xf32>
        %max3A_245 = arith.constant 0.000000e+00 : f32
        %max3A_246 = vector.broadcast %max3A_245 : f32 to vector<16xf32>
        %max3A_247 = arith.maximumf %add3A_244, %max3A_246 : vector<16xf32>
        %swap3A_248 = arith.index_cast %add3A_189 : i32 to index
        %swap3A_249 = arith.constant 48 : index
        %swap3A_250 = tpu.vector_load %arg14[%swap3A_248, %swap3A_249] {strides = array<i32>} : memref<48x128xf32, #tpu.memory_space<vmem>>, vector<16xf32>,
        tpu.vector_store %arg14[%swap3A_248, %swap3A_249], %max3A_247 {strides = array<i32>} : memref<48x128xf32, #tpu.memory_space<vmem>>, vector<16xf32>,
        %get3A_251 = arith.index_cast %add3A_189 : i32 to index
        %get3A_252 = arith.constant 64 : index
        %get3A_253 = tpu.vector_load %arg14[%get3A_251, %get3A_252] {strides = array<i32>} : memref<48x128xf32, #tpu.memory_space<vmem>>, vector<16xf32>,
        %get3A_254 = arith.index_cast %add3A_189 : i32 to index
        %get3A_255 = arith.constant 64 : index
        %get3A_256 = tpu.vector_load %arg15[%get3A_254, %get3A_255] {strides = array<i32>} : memref<48x128xf32, #tpu.memory_space<vmem>>, vector<16xf32>,
        %add3A_257 = arith.addf %get3A_253, %get3A_256 : vector<16xf32>
        %mul3A_258 = arith.mulf %get3A_192, %get3A_11 : vector<16xf32>
        %add3A_259 = arith.addf %add3A_257, %mul3A_258 : vector<16xf32>
        %max3A_260 = arith.constant 0.000000e+00 : f32
        %max3A_261 = vector.broadcast %max3A_260 : f32 to vector<16xf32>
        %max3A_262 = arith.maximumf %add3A_259, %max3A_261 : vector<16xf32>
        %swap3A_263 = arith.index_cast %add3A_189 : i32 to index
        %swap3A_264 = arith.constant 64 : index
        %swap3A_265 = tpu.vector_load %arg14[%swap3A_263, %swap3A_264] {strides = array<i32>} : memref<48x128xf32, #tpu.memory_space<vmem>>, vector<16xf32>,
        tpu.vector_store %arg14[%swap3A_263, %swap3A_264], %max3A_262 {strides = array<i32>} : memref<48x128xf32, #tpu.memory_space<vmem>>, vector<16xf32>,
        %get3A_266 = arith.index_cast %add3A_189 : i32 to index
        %get3A_267 = arith.constant 80 : index
        %get3A_268 = tpu.vector_load %arg14[%get3A_266, %get3A_267] {strides = array<i32>} : memref<48x128xf32, #tpu.memory_space<vmem>>, vector<16xf32>,
        %get3A_269 = arith.index_cast %add3A_189 : i32 to index
        %get3A_270 = arith.constant 80 : index
        %get3A_271 = tpu.vector_load %arg15[%get3A_269, %get3A_270] {strides = array<i32>} : memref<48x128xf32, #tpu.memory_space<vmem>>, vector<16xf32>,
        %add3A_272 = arith.addf %get3A_268, %get3A_271 : vector<16xf32>
        %mul3A_273 = arith.mulf %get3A_192, %get3A_13 : vector<16xf32>
        %add3A_274 = arith.addf %add3A_272, %mul3A_273 : vector<16xf32>
        %max3A_275 = arith.constant 0.000000e+00 : f32
        %max3A_276 = vector.broadcast %max3A_275 : f32 to vector<16xf32>
        %max3A_277 = arith.maximumf %add3A_274, %max3A_276 : vector<16xf32>
        %swap3A_278 = arith.index_cast %add3A_189 : i32 to index
        %swap3A_279 = arith.constant 80 : index
        %swap3A_280 = tpu.vector_load %arg14[%swap3A_278, %swap3A_279] {strides = array<i32>} : memref<48x128xf32, #tpu.memory_space<vmem>>, vector<16xf32>,
        tpu.vector_store %arg14[%swap3A_278, %swap3A_279], %max3A_277 {strides = array<i32>} : memref<48x128xf32, #tpu.memory_space<vmem>>, vector<16xf32>,
        %get3A_281 = arith.index_cast %add3A_189 : i32 to index
        %get3A_282 = arith.constant 96 : index
        %get3A_283 = tpu.vector_load %arg14[%get3A_281, %get3A_282] {strides = array<i32>} : memref<48x128xf32, #tpu.memory_space<vmem>>, vector<16xf32>,
        %get3A_284 = arith.index_cast %add3A_189 : i32 to index
        %get3A_285 = arith.constant 96 : index
        %get3A_286 = tpu.vector_load %arg15[%get3A_284, %get3A_285] {strides = array<i32>} : memref<48x128xf32, #tpu.memory_space<vmem>>, vector<16xf32>,
        %add3A_287 = arith.addf %get3A_283, %get3A_286 : vector<16xf32>
        %mul3A_288 = arith.mulf %get3A_192, %get3A_15 : vector<16xf32>
        %add3A_289 = arith.addf %add3A_287, %mul3A_288 : vector<16xf32>
        %max3A_290 = arith.constant 0.000000e+00 : f32
        %max3A_291 = vector.broadcast %max3A_290 : f32 to vector<16xf32>
        %max3A_292 = arith.maximumf %add3A_289, %max3A_291 : vector<16xf32>
        %swap3A_293 = arith.index_cast %add3A_189 : i32 to index
        %swap3A_294 = arith.constant 96 : index
        %swap3A_295 = tpu.vector_load %arg14[%swap3A_293, %swap3A_294] {strides = array<i32>} : memref<48x128xf32, #tpu.memory_space<vmem>>, vector<16xf32>,
        tpu.vector_store %arg14[%swap3A_293, %swap3A_294], %max3A_292 {strides = array<i32>} : memref<48x128xf32, #tpu.memory_space<vmem>>, vector<16xf32>,
        %get3A_296 = arith.index_cast %add3A_189 : i32 to index
        %get3A_297 = arith.constant 112 : index
        %get3A_298 = tpu.vector_load %arg14[%get3A_296, %get3A_297] {strides = array<i32>} : memref<48x128xf32, #tpu.memory_space<vmem>>, vector<16xf32>,
        %get3A_299 = arith.index_cast %add3A_189 : i32 to index
        %get3A_300 = arith.constant 112 : index
        %get3A_301 = tpu.vector_load %arg15[%get3A_299, %get3A_300] {strides = array<i32>} : memref<48x128xf32, #tpu.memory_space<vmem>>, vector<16xf32>,
        %add3A_302 = arith.addf %get3A_298, %get3A_301 : vector<16xf32>
        %mul3A_303 = arith.mulf %get3A_192, %get3A_17 : vector<16xf32>
        %add3A_304 = arith.addf %add3A_302, %mul3A_303 : vector<16xf32>
        %max3A_305 = arith.constant 0.000000e+00 : f32
        %max3A_306 = vector.broadcast %max3A_305 : f32 to vector<16xf32>
        %max3A_307 = arith.maximumf %add3A_304, %max3A_306 : vector<16xf32>
        %swap3A_308 = arith.index_cast %add3A_189 : i32 to index
        %swap3A_309 = arith.constant 112 : index
        %swap3A_310 = tpu.vector_load %arg14[%swap3A_308, %swap3A_309] {strides = array<i32>} : memref<48x128xf32, #tpu.memory_space<vmem>>, vector<16xf32>,
        tpu.vector_store %arg14[%swap3A_308, %swap3A_309], %max3A_307 {strides = array<i32>} : memref<48x128xf32, #tpu.memory_space<vmem>>, vector<16xf32>,
      }
      %scan3A_114 = arith.constant 48 : i32
      "tpu.region"() ({
        %run_scoped3A = tpu.sem_alloc : memref<!tpu.dma_semaphore, #tpu.memory_space<semaphore_mem>>
        %dma_start3A_185 = arith.constant 0 : i32
        %dma_start3A_186 = arith.constant 0 : i32
        %dma_start3A_187 = tpu.memref_slice %arg23[%dma_start3A_185, %dma_start3A_186] : memref<10240x128xf32, #tpu.memory_space<vmem_shared>> -> memref<10240x128xf32, #tpu.memory_space<vmem_shared>>
        tpu.enqueue_indirect_dma source(%arg14 : memref<48x128xf32, #tpu.memory_space<vmem>>) target(%dma_start3A_187 : memref<10240x128xf32, #tpu.memory_space<vmem_shared>>) offsets(%arg12 : memref<48xi32, #tpu.memory_space<vmem>>) semaphore(%run_scoped3A : memref<!tpu.dma_semaphore, #tpu.memory_space<semaphore_mem>>) {add = true}
        %dma_wait3A_188 = arith.constant 0 : i32
        %dma_wait3A_189 = arith.constant 0 : i32
        %dma_wait3A_190 = tpu.memref_slice %arg23[%dma_wait3A_188, %dma_wait3A_189] : memref<10240x128xf32, #tpu.memory_space<vmem_shared>> -> memref<10240x128xf32, #tpu.memory_space<vmem_shared>>
        tpu.wait_indirect_dma semaphore(%run_scoped3A : memref<!tpu.dma_semaphore, #tpu.memory_space<semaphore_mem>>) src(%arg14 : memref<48x128xf32, #tpu.memory_space<vmem>>) dst(%dma_wait3A_190 : memref<10240x128xf32, #tpu.memory_space<vmem_shared>>)
        tpu.yield
      }) : () -> ()
      %dma_wait3A_115 = tpu.memref_slice %arg2[%add3A_90] : memref<321024xi32, #tpu.memory_space<hbm>> -> memref<48xi32, #tpu.memory_space<hbm>>
      %dma_wait3A_116 = tpu.memref_slice %arg2[%add3A_90] : memref<321024xi32, #tpu.memory_space<hbm>> -> memref<48xi32, #tpu.memory_space<hbm>>
      tpu.wait_dma2 semaphore(%arg27 : memref<!tpu.dma_semaphore, #tpu.memory_space<semaphore_mem>>) src(%dma_wait3A_116 : memref<48xi32, #tpu.memory_space<hbm>>) dst(%arg16 : memref<48xi32, #tpu.memory_space<vmem>>)
      %dma_wait3A_117 = tpu.memref_slice %arg3[%add3A_95] : memref<321024xi32, #tpu.memory_space<hbm>> -> memref<48xi32, #tpu.memory_space<hbm>>
      %dma_wait3A_118 = tpu.memref_slice %arg3[%add3A_95] : memref<321024xi32, #tpu.memory_space<hbm>> -> memref<48xi32, #tpu.memory_space<hbm>>
      tpu.wait_dma2 semaphore(%arg27 : memref<!tpu.dma_semaphore, #tpu.memory_space<semaphore_mem>>) src(%dma_wait3A_118 : memref<48xi32, #tpu.memory_space<hbm>>) dst(%arg17 : memref<48xi32, #tpu.memory_space<vmem>>)
      %dma_wait3A_119 = tpu.memref_slice %arg4[%add3A_87] : memref<160512xi32, #tpu.memory_space<hbm>> -> memref<48xi32, #tpu.memory_space<hbm>>
      %dma_wait3A_120 = tpu.memref_slice %arg4[%add3A_87] : memref<160512xi32, #tpu.memory_space<hbm>> -> memref<48xi32, #tpu.memory_space<hbm>>
      tpu.wait_dma2 semaphore(%arg27 : memref<!tpu.dma_semaphore, #tpu.memory_space<semaphore_mem>>) src(%dma_wait3A_120 : memref<48xi32, #tpu.memory_space<hbm>>) dst(%arg18 : memref<48xi32, #tpu.memory_space<vmem>>)
      %dma_wait3A_121 = arith.constant 0 : i32
      %dma_wait3A_122 = tpu.memref_slice %arg5[%add3A_87, %dma_wait3A_121] : memref<160512x16xf32, #tpu.memory_space<hbm>> -> memref<48x16xf32, #tpu.memory_space<hbm>>
      %dma_wait3A_123 = arith.constant 0 : i32
      %dma_wait3A_124 = tpu.memref_slice %arg5[%add3A_87, %dma_wait3A_123] : memref<160512x16xf32, #tpu.memory_space<hbm>> -> memref<48x16xf32, #tpu.memory_space<hbm>>
      tpu.wait_dma2 semaphore(%arg27 : memref<!tpu.dma_semaphore, #tpu.memory_space<semaphore_mem>>) src(%dma_wait3A_124 : memref<48x16xf32, #tpu.memory_space<hbm>>) dst(%arg19 : memref<48x16xf32, #tpu.memory_space<vmem>>)
      %dma_start3A_125 = arith.constant 0 : i32
      %dma_start3A_126 = arith.constant 0 : i32
      %dma_start3A_127 = tpu.memref_slice %arg6[%dma_start3A_125, %dma_start3A_126] : memref<40000x128xf32, #tpu.memory_space<hbm>> -> memref<40000x128xf32, #tpu.memory_space<hbm>>
      tpu.enqueue_indirect_dma source(%dma_start3A_127 : memref<40000x128xf32, #tpu.memory_space<hbm>>) target(%arg20 : memref<48x128xf32, #tpu.memory_space<vmem>>) offsets(%arg16 : memref<48xi32, #tpu.memory_space<vmem>>) semaphore(%arg28 : memref<!tpu.dma_semaphore, #tpu.memory_space<semaphore_mem>>)
      %dma_start3A_128 = arith.constant 0 : i32
      %dma_start3A_129 = arith.constant 0 : i32
      %dma_start3A_130 = tpu.memref_slice %arg6[%dma_start3A_128, %dma_start3A_129] : memref<40000x128xf32, #tpu.memory_space<hbm>> -> memref<40000x128xf32, #tpu.memory_space<hbm>>
      tpu.enqueue_indirect_dma source(%dma_start3A_130 : memref<40000x128xf32, #tpu.memory_space<hbm>>) target(%arg21 : memref<48x128xf32, #tpu.memory_space<vmem>>) offsets(%arg17 : memref<48xi32, #tpu.memory_space<vmem>>) semaphore(%arg29 : memref<!tpu.dma_semaphore, #tpu.memory_space<semaphore_mem>>)
      %mul3A_131 = arith.constant 2 : i32
      %mul3A_132 = arith.muli %mul3A_131, %add3A_78 : i32
      %add3A_133 = arith.constant 1 : i32
      %add3A_134 = arith.addi %mul3A_132, %add3A_133 : i32
      %add3A_135 = arith.constant 1 : i32
      %add3A_136 = arith.addi %add3A_134, %add3A_135 : i32
      %mul3A_137 = arith.constant 10032 : i32
      %mul3A_138 = arith.muli %arg1, %mul3A_137 : i32
      %mul3A_139 = arith.constant 48 : i32
      %mul3A_140 = arith.muli %add3A_136, %mul3A_139 : i32
      %add3A_141 = arith.addi %mul3A_138, %mul3A_140 : i32
      %mul3A_142 = arith.constant 160512 : i32
      %mul3A_143 = arith.muli %arg0, %mul3A_142 : i32
      %add3A_144 = arith.addi %mul3A_143, %add3A_141 : i32
      %dma_start3A_145 = tpu.memref_slice %arg2[%add3A_144] : memref<321024xi32, #tpu.memory_space<hbm>> -> memref<48xi32, #tpu.memory_space<hbm>>
      %dma_start3A_146 = tpu.memref_slice %arg2[%add3A_144] : memref<321024xi32, #tpu.memory_space<hbm>> -> memref<48xi32, #tpu.memory_space<hbm>>
      tpu.enqueue_dma source(%dma_start3A_146 : memref<48xi32, #tpu.memory_space<hbm>>) target(%arg10 : memref<48xi32, #tpu.memory_space<vmem>>) target_semaphore(%arg24 : memref<!tpu.dma_semaphore, #tpu.memory_space<semaphore_mem>>)
      %mul3A_147 = arith.constant 160512 : i32
      %mul3A_148 = arith.muli %arg0, %mul3A_147 : i32
      %add3A_149 = arith.addi %mul3A_148, %add3A_141 : i32
      %dma_start3A_150 = tpu.memref_slice %arg3[%add3A_149] : memref<321024xi32, #tpu.memory_space<hbm>> -> memref<48xi32, #tpu.memory_space<hbm>>
      %dma_start3A_151 = tpu.memref_slice %arg3[%add3A_149] : memref<321024xi32, #tpu.memory_space<hbm>> -> memref<48xi32, #tpu.memory_space<hbm>>
      tpu.enqueue_dma source(%dma_start3A_151 : memref<48xi32, #tpu.memory_space<hbm>>) target(%arg11 : memref<48xi32, #tpu.memory_space<vmem>>) target_semaphore(%arg24 : memref<!tpu.dma_semaphore, #tpu.memory_space<semaphore_mem>>)
      %dma_start3A_152 = tpu.memref_slice %arg4[%add3A_141] : memref<160512xi32, #tpu.memory_space<hbm>> -> memref<48xi32, #tpu.memory_space<hbm>>
      %dma_start3A_153 = tpu.memref_slice %arg4[%add3A_141] : memref<160512xi32, #tpu.memory_space<hbm>> -> memref<48xi32, #tpu.memory_space<hbm>>
      tpu.enqueue_dma source(%dma_start3A_153 : memref<48xi32, #tpu.memory_space<hbm>>) target(%arg12 : memref<48xi32, #tpu.memory_space<vmem>>) target_semaphore(%arg24 : memref<!tpu.dma_semaphore, #tpu.memory_space<semaphore_mem>>)
      %dma_start3A_154 = arith.constant 0 : i32
      %dma_start3A_155 = tpu.memref_slice %arg5[%add3A_141, %dma_start3A_154] : memref<160512x16xf32, #tpu.memory_space<hbm>> -> memref<48x16xf32, #tpu.memory_space<hbm>>
      %dma_start3A_156 = arith.constant 0 : i32
      %dma_start3A_157 = tpu.memref_slice %arg5[%add3A_141, %dma_start3A_156] : memref<160512x16xf32, #tpu.memory_space<hbm>> -> memref<48x16xf32, #tpu.memory_space<hbm>>
      tpu.enqueue_dma source(%dma_start3A_157 : memref<48x16xf32, #tpu.memory_space<hbm>>) target(%arg13 : memref<48x16xf32, #tpu.memory_space<vmem>>) target_semaphore(%arg24 : memref<!tpu.dma_semaphore, #tpu.memory_space<semaphore_mem>>)
      %dma_wait3A_158 = arith.constant 0 : i32
      %dma_wait3A_159 = arith.constant 0 : i32
      %dma_wait3A_160 = tpu.memref_slice %arg6[%dma_wait3A_158, %dma_wait3A_159] : memref<40000x128xf32, #tpu.memory_space<hbm>> -> memref<40000x128xf32, #tpu.memory_space<hbm>>
      tpu.wait_indirect_dma semaphore(%arg28 : memref<!tpu.dma_semaphore, #tpu.memory_space<semaphore_mem>>) src(%dma_wait3A_160 : memref<40000x128xf32, #tpu.memory_space<hbm>>) dst(%arg20 : memref<48x128xf32, #tpu.memory_space<vmem>>)
      %dma_wait3A_161 = arith.constant 0 : i32
      %dma_wait3A_162 = arith.constant 0 : i32
      %dma_wait3A_163 = tpu.memref_slice %arg6[%dma_wait3A_161, %dma_wait3A_162] : memref<40000x128xf32, #tpu.memory_space<hbm>> -> memref<40000x128xf32, #tpu.memory_space<hbm>>
      tpu.wait_indirect_dma semaphore(%arg29 : memref<!tpu.dma_semaphore, #tpu.memory_space<semaphore_mem>>) src(%dma_wait3A_163 : memref<40000x128xf32, #tpu.memory_space<hbm>>) dst(%arg21 : memref<48x128xf32, #tpu.memory_space<vmem>>)
      %scan3A_164 = arith.constant 0 : i32
      %scan3A_165 = arith.constant 48 : i32
      %scan3A_166 = arith.addi %scan3A_164, %scan3A_165 : i32
      %scan3A_167 = arith.constant 1 : i32
      scf.for %scan3A_185 = %scan3A_164 to %scan3A_166 step %scan3A_167  : i32 {
        %mul3A_186 = arith.constant 1 : i32
        %mul3A_187 = arith.muli %scan3A_185, %mul3A_186 : i32
        %add3A_188 = arith.constant 0 : i32
        %add3A_189 = arith.addi %add3A_188, %mul3A_187 : i32
        %get3A_190 = arith.index_cast %add3A_189 : i32 to index
        %get3A_191 = arith.constant 0 : index
        %get3A_192 = tpu.vector_load %arg19[%get3A_190, %get3A_191] {strides = array<i32>} : memref<48x16xf32, #tpu.memory_space<vmem>>, vector<16xf32>,
        %get3A_193 = arith.index_cast %add3A_189 : i32 to index
        %get3A_194 = arith.constant 0 : index
        %get3A_195 = tpu.vector_load %arg20[%get3A_193, %get3A_194] {strides = array<i32>} : memref<48x128xf32, #tpu.memory_space<vmem>>, vector<16xf32>,
        %get3A_196 = arith.index_cast %add3A_189 : i32 to index
        %get3A_197 = arith.constant 0 : index
        %get3A_198 = tpu.vector_load %arg21[%get3A_196, %get3A_197] {strides = array<i32>} : memref<48x128xf32, #tpu.memory_space<vmem>>, vector<16xf32>,
        %add3A_199 = arith.addf %get3A_195, %get3A_198 : vector<16xf32>
        %mul3A_200 = arith.mulf %get3A_192, %get3A_3 : vector<16xf32>
        %add3A_201 = arith.addf %add3A_199, %mul3A_200 : vector<16xf32>
        %max3A = arith.constant 0.000000e+00 : f32
        %max3A_202 = vector.broadcast %max3A : f32 to vector<16xf32>
        %max3A_203 = arith.maximumf %add3A_201, %max3A_202 : vector<16xf32>
        %swap3A = arith.index_cast %add3A_189 : i32 to index
        %swap3A_204 = arith.constant 0 : index
        %swap3A_205 = tpu.vector_load %arg20[%swap3A, %swap3A_204] {strides = array<i32>} : memref<48x128xf32, #tpu.memory_space<vmem>>, vector<16xf32>,
        tpu.vector_store %arg20[%swap3A, %swap3A_204], %max3A_203 {strides = array<i32>} : memref<48x128xf32, #tpu.memory_space<vmem>>, vector<16xf32>,
        %get3A_206 = arith.index_cast %add3A_189 : i32 to index
        %get3A_207 = arith.constant 16 : index
        %get3A_208 = tpu.vector_load %arg20[%get3A_206, %get3A_207] {strides = array<i32>} : memref<48x128xf32, #tpu.memory_space<vmem>>, vector<16xf32>,
        %get3A_209 = arith.index_cast %add3A_189 : i32 to index
        %get3A_210 = arith.constant 16 : index
        %get3A_211 = tpu.vector_load %arg21[%get3A_209, %get3A_210] {strides = array<i32>} : memref<48x128xf32, #tpu.memory_space<vmem>>, vector<16xf32>,
        %add3A_212 = arith.addf %get3A_208, %get3A_211 : vector<16xf32>
        %mul3A_213 = arith.mulf %get3A_192, %get3A_5 : vector<16xf32>
        %add3A_214 = arith.addf %add3A_212, %mul3A_213 : vector<16xf32>
        %max3A_215 = arith.constant 0.000000e+00 : f32
        %max3A_216 = vector.broadcast %max3A_215 : f32 to vector<16xf32>
        %max3A_217 = arith.maximumf %add3A_214, %max3A_216 : vector<16xf32>
        %swap3A_218 = arith.index_cast %add3A_189 : i32 to index
        %swap3A_219 = arith.constant 16 : index
        %swap3A_220 = tpu.vector_load %arg20[%swap3A_218, %swap3A_219] {strides = array<i32>} : memref<48x128xf32, #tpu.memory_space<vmem>>, vector<16xf32>,
        tpu.vector_store %arg20[%swap3A_218, %swap3A_219], %max3A_217 {strides = array<i32>} : memref<48x128xf32, #tpu.memory_space<vmem>>, vector<16xf32>,
        %get3A_221 = arith.index_cast %add3A_189 : i32 to index
        %get3A_222 = arith.constant 32 : index
        %get3A_223 = tpu.vector_load %arg20[%get3A_221, %get3A_222] {strides = array<i32>} : memref<48x128xf32, #tpu.memory_space<vmem>>, vector<16xf32>,
        %get3A_224 = arith.index_cast %add3A_189 : i32 to index
        %get3A_225 = arith.constant 32 : index
        %get3A_226 = tpu.vector_load %arg21[%get3A_224, %get3A_225] {strides = array<i32>} : memref<48x128xf32, #tpu.memory_space<vmem>>, vector<16xf32>,
        %add3A_227 = arith.addf %get3A_223, %get3A_226 : vector<16xf32>
        %mul3A_228 = arith.mulf %get3A_192, %get3A_7 : vector<16xf32>
        %add3A_229 = arith.addf %add3A_227, %mul3A_228 : vector<16xf32>
        %max3A_230 = arith.constant 0.000000e+00 : f32
        %max3A_231 = vector.broadcast %max3A_230 : f32 to vector<16xf32>
        %max3A_232 = arith.maximumf %add3A_229, %max3A_231 : vector<16xf32>
        %swap3A_233 = arith.index_cast %add3A_189 : i32 to index
        %swap3A_234 = arith.constant 32 : index
        %swap3A_235 = tpu.vector_load %arg20[%swap3A_233, %swap3A_234] {strides = array<i32>} : memref<48x128xf32, #tpu.memory_space<vmem>>, vector<16xf32>,
        tpu.vector_store %arg20[%swap3A_233, %swap3A_234], %max3A_232 {strides = array<i32>} : memref<48x128xf32, #tpu.memory_space<vmem>>, vector<16xf32>,
        %get3A_236 = arith.index_cast %add3A_189 : i32 to index
        %get3A_237 = arith.constant 48 : index
        %get3A_238 = tpu.vector_load %arg20[%get3A_236, %get3A_237] {strides = array<i32>} : memref<48x128xf32, #tpu.memory_space<vmem>>, vector<16xf32>,
        %get3A_239 = arith.index_cast %add3A_189 : i32 to index
        %get3A_240 = arith.constant 48 : index
        %get3A_241 = tpu.vector_load %arg21[%get3A_239, %get3A_240] {strides = array<i32>} : memref<48x128xf32, #tpu.memory_space<vmem>>, vector<16xf32>,
        %add3A_242 = arith.addf %get3A_238, %get3A_241 : vector<16xf32>
        %mul3A_243 = arith.mulf %get3A_192, %get3A_9 : vector<16xf32>
        %add3A_244 = arith.addf %add3A_242, %mul3A_243 : vector<16xf32>
        %max3A_245 = arith.constant 0.000000e+00 : f32
        %max3A_246 = vector.broadcast %max3A_245 : f32 to vector<16xf32>
        %max3A_247 = arith.maximumf %add3A_244, %max3A_246 : vector<16xf32>
        %swap3A_248 = arith.index_cast %add3A_189 : i32 to index
        %swap3A_249 = arith.constant 48 : index
        %swap3A_250 = tpu.vector_load %arg20[%swap3A_248, %swap3A_249] {strides = array<i32>} : memref<48x128xf32, #tpu.memory_space<vmem>>, vector<16xf32>,
        tpu.vector_store %arg20[%swap3A_248, %swap3A_249], %max3A_247 {strides = array<i32>} : memref<48x128xf32, #tpu.memory_space<vmem>>, vector<16xf32>,
        %get3A_251 = arith.index_cast %add3A_189 : i32 to index
        %get3A_252 = arith.constant 64 : index
        %get3A_253 = tpu.vector_load %arg20[%get3A_251, %get3A_252] {strides = array<i32>} : memref<48x128xf32, #tpu.memory_space<vmem>>, vector<16xf32>,
        %get3A_254 = arith.index_cast %add3A_189 : i32 to index
        %get3A_255 = arith.constant 64 : index
        %get3A_256 = tpu.vector_load %arg21[%get3A_254, %get3A_255] {strides = array<i32>} : memref<48x128xf32, #tpu.memory_space<vmem>>, vector<16xf32>,
        %add3A_257 = arith.addf %get3A_253, %get3A_256 : vector<16xf32>
        %mul3A_258 = arith.mulf %get3A_192, %get3A_11 : vector<16xf32>
        %add3A_259 = arith.addf %add3A_257, %mul3A_258 : vector<16xf32>
        %max3A_260 = arith.constant 0.000000e+00 : f32
        %max3A_261 = vector.broadcast %max3A_260 : f32 to vector<16xf32>
        %max3A_262 = arith.maximumf %add3A_259, %max3A_261 : vector<16xf32>
        %swap3A_263 = arith.index_cast %add3A_189 : i32 to index
        %swap3A_264 = arith.constant 64 : index
        %swap3A_265 = tpu.vector_load %arg20[%swap3A_263, %swap3A_264] {strides = array<i32>} : memref<48x128xf32, #tpu.memory_space<vmem>>, vector<16xf32>,
        tpu.vector_store %arg20[%swap3A_263, %swap3A_264], %max3A_262 {strides = array<i32>} : memref<48x128xf32, #tpu.memory_space<vmem>>, vector<16xf32>,
        %get3A_266 = arith.index_cast %add3A_189 : i32 to index
        %get3A_267 = arith.constant 80 : index
        %get3A_268 = tpu.vector_load %arg20[%get3A_266, %get3A_267] {strides = array<i32>} : memref<48x128xf32, #tpu.memory_space<vmem>>, vector<16xf32>,
        %get3A_269 = arith.index_cast %add3A_189 : i32 to index
        %get3A_270 = arith.constant 80 : index
        %get3A_271 = tpu.vector_load %arg21[%get3A_269, %get3A_270] {strides = array<i32>} : memref<48x128xf32, #tpu.memory_space<vmem>>, vector<16xf32>,
        %add3A_272 = arith.addf %get3A_268, %get3A_271 : vector<16xf32>
        %mul3A_273 = arith.mulf %get3A_192, %get3A_13 : vector<16xf32>
        %add3A_274 = arith.addf %add3A_272, %mul3A_273 : vector<16xf32>
        %max3A_275 = arith.constant 0.000000e+00 : f32
        %max3A_276 = vector.broadcast %max3A_275 : f32 to vector<16xf32>
        %max3A_277 = arith.maximumf %add3A_274, %max3A_276 : vector<16xf32>
        %swap3A_278 = arith.index_cast %add3A_189 : i32 to index
        %swap3A_279 = arith.constant 80 : index
        %swap3A_280 = tpu.vector_load %arg20[%swap3A_278, %swap3A_279] {strides = array<i32>} : memref<48x128xf32, #tpu.memory_space<vmem>>, vector<16xf32>,
        tpu.vector_store %arg20[%swap3A_278, %swap3A_279], %max3A_277 {strides = array<i32>} : memref<48x128xf32, #tpu.memory_space<vmem>>, vector<16xf32>,
        %get3A_281 = arith.index_cast %add3A_189 : i32 to index
        %get3A_282 = arith.constant 96 : index
        %get3A_283 = tpu.vector_load %arg20[%get3A_281, %get3A_282] {strides = array<i32>} : memref<48x128xf32, #tpu.memory_space<vmem>>, vector<16xf32>,
        %get3A_284 = arith.index_cast %add3A_189 : i32 to index
        %get3A_285 = arith.constant 96 : index
        %get3A_286 = tpu.vector_load %arg21[%get3A_284, %get3A_285] {strides = array<i32>} : memref<48x128xf32, #tpu.memory_space<vmem>>, vector<16xf32>,
        %add3A_287 = arith.addf %get3A_283, %get3A_286 : vector<16xf32>
        %mul3A_288 = arith.mulf %get3A_192, %get3A_15 : vector<16xf32>
        %add3A_289 = arith.addf %add3A_287, %mul3A_288 : vector<16xf32>
        %max3A_290 = arith.constant 0.000000e+00 : f32
        %max3A_291 = vector.broadcast %max3A_290 : f32 to vector<16xf32>
        %max3A_292 = arith.maximumf %add3A_289, %max3A_291 : vector<16xf32>
        %swap3A_293 = arith.index_cast %add3A_189 : i32 to index
        %swap3A_294 = arith.constant 96 : index
        %swap3A_295 = tpu.vector_load %arg20[%swap3A_293, %swap3A_294] {strides = array<i32>} : memref<48x128xf32, #tpu.memory_space<vmem>>, vector<16xf32>,
        tpu.vector_store %arg20[%swap3A_293, %swap3A_294], %max3A_292 {strides = array<i32>} : memref<48x128xf32, #tpu.memory_space<vmem>>, vector<16xf32>,
        %get3A_296 = arith.index_cast %add3A_189 : i32 to index
        %get3A_297 = arith.constant 112 : index
        %get3A_298 = tpu.vector_load %arg20[%get3A_296, %get3A_297] {strides = array<i32>} : memref<48x128xf32, #tpu.memory_space<vmem>>, vector<16xf32>,
        %get3A_299 = arith.index_cast %add3A_189 : i32 to index
        %get3A_300 = arith.constant 112 : index
        %get3A_301 = tpu.vector_load %arg21[%get3A_299, %get3A_300] {strides = array<i32>} : memref<48x128xf32, #tpu.memory_space<vmem>>, vector<16xf32>,
        %add3A_302 = arith.addf %get3A_298, %get3A_301 : vector<16xf32>
        %mul3A_303 = arith.mulf %get3A_192, %get3A_17 : vector<16xf32>
        %add3A_304 = arith.addf %add3A_302, %mul3A_303 : vector<16xf32>
        %max3A_305 = arith.constant 0.000000e+00 : f32
        %max3A_306 = vector.broadcast %max3A_305 : f32 to vector<16xf32>
        %max3A_307 = arith.maximumf %add3A_304, %max3A_306 : vector<16xf32>
        %swap3A_308 = arith.index_cast %add3A_189 : i32 to index
        %swap3A_309 = arith.constant 112 : index
        %swap3A_310 = tpu.vector_load %arg20[%swap3A_308, %swap3A_309] {strides = array<i32>} : memref<48x128xf32, #tpu.memory_space<vmem>>, vector<16xf32>,
        tpu.vector_store %arg20[%swap3A_308, %swap3A_309], %max3A_307 {strides = array<i32>} : memref<48x128xf32, #tpu.memory_space<vmem>>, vector<16xf32>,
      }
      %scan3A_168 = arith.constant 48 : i32
      "tpu.region"() ({
        %run_scoped3A = tpu.sem_alloc : memref<!tpu.dma_semaphore, #tpu.memory_space<semaphore_mem>>
        %dma_start3A_185 = arith.constant 0 : i32
        %dma_start3A_186 = arith.constant 0 : i32
        %dma_start3A_187 = tpu.memref_slice %arg23[%dma_start3A_185, %dma_start3A_186] : memref<10240x128xf32, #tpu.memory_space<vmem_shared>> -> memref<10240x128xf32, #tpu.memory_space<vmem_shared>>
        tpu.enqueue_indirect_dma source(%arg20 : memref<48x128xf32, #tpu.memory_space<vmem>>) target(%dma_start3A_187 : memref<10240x128xf32, #tpu.memory_space<vmem_shared>>) offsets(%arg18 : memref<48xi32, #tpu.memory_space<vmem>>) semaphore(%run_scoped3A : memref<!tpu.dma_semaphore, #tpu.memory_space<semaphore_mem>>) {add = true}
        %dma_wait3A_188 = arith.constant 0 : i32
        %dma_wait3A_189 = arith.constant 0 : i32
        %dma_wait3A_190 = tpu.memref_slice %arg23[%dma_wait3A_188, %dma_wait3A_189] : memref<10240x128xf32, #tpu.memory_space<vmem_shared>> -> memref<10240x128xf32, #tpu.memory_space<vmem_shared>>
        tpu.wait_indirect_dma semaphore(%run_scoped3A : memref<!tpu.dma_semaphore, #tpu.memory_space<semaphore_mem>>) src(%arg20 : memref<48x128xf32, #tpu.memory_space<vmem>>) dst(%dma_wait3A_190 : memref<10240x128xf32, #tpu.memory_space<vmem_shared>>)
        tpu.yield
      }) : () -> ()
      %dma_wait3A_169 = tpu.memref_slice %arg2[%add3A_144] : memref<321024xi32, #tpu.memory_space<hbm>> -> memref<48xi32, #tpu.memory_space<hbm>>
      %dma_wait3A_170 = tpu.memref_slice %arg2[%add3A_144] : memref<321024xi32, #tpu.memory_space<hbm>> -> memref<48xi32, #tpu.memory_space<hbm>>
      tpu.wait_dma2 semaphore(%arg24 : memref<!tpu.dma_semaphore, #tpu.memory_space<semaphore_mem>>) src(%dma_wait3A_170 : memref<48xi32, #tpu.memory_space<hbm>>) dst(%arg10 : memref<48xi32, #tpu.memory_space<vmem>>)
      %dma_wait3A_171 = tpu.memref_slice %arg3[%add3A_149] : memref<321024xi32, #tpu.memory_space<hbm>> -> memref<48xi32, #tpu.memory_space<hbm>>
      %dma_wait3A_172 = tpu.memref_slice %arg3[%add3A_149] : memref<321024xi32, #tpu.memory_space<hbm>> -> memref<48xi32, #tpu.memory_space<hbm>>
      tpu.wait_dma2 semaphore(%arg24 : memref<!tpu.dma_semaphore, #tpu.memory_space<semaphore_mem>>) src(%dma_wait3A_172 : memref<48xi32, #tpu.memory_space<hbm>>) dst(%arg11 : memref<48xi32, #tpu.memory_space<vmem>>)
      %dma_wait3A_173 = tpu.memref_slice %arg4[%add3A_141] : memref<160512xi32, #tpu.memory_space<hbm>> -> memref<48xi32, #tpu.memory_space<hbm>>
      %dma_wait3A_174 = tpu.memref_slice %arg4[%add3A_141] : memref<160512xi32, #tpu.memory_space<hbm>> -> memref<48xi32, #tpu.memory_space<hbm>>
      tpu.wait_dma2 semaphore(%arg24 : memref<!tpu.dma_semaphore, #tpu.memory_space<semaphore_mem>>) src(%dma_wait3A_174 : memref<48xi32, #tpu.memory_space<hbm>>) dst(%arg12 : memref<48xi32, #tpu.memory_space<vmem>>)
      %dma_wait3A_175 = arith.constant 0 : i32
      %dma_wait3A_176 = tpu.memref_slice %arg5[%add3A_141, %dma_wait3A_175] : memref<160512x16xf32, #tpu.memory_space<hbm>> -> memref<48x16xf32, #tpu.memory_space<hbm>>
      %dma_wait3A_177 = arith.constant 0 : i32
      %dma_wait3A_178 = tpu.memref_slice %arg5[%add3A_141, %dma_wait3A_177] : memref<160512x16xf32, #tpu.memory_space<hbm>> -> memref<48x16xf32, #tpu.memory_space<hbm>>
      tpu.wait_dma2 semaphore(%arg24 : memref<!tpu.dma_semaphore, #tpu.memory_space<semaphore_mem>>) src(%dma_wait3A_178 : memref<48x16xf32, #tpu.memory_space<hbm>>) dst(%arg13 : memref<48x16xf32, #tpu.memory_space<vmem>>)
      %dma_start3A_179 = arith.constant 0 : i32
      %dma_start3A_180 = arith.constant 0 : i32
      %dma_start3A_181 = tpu.memref_slice %arg6[%dma_start3A_179, %dma_start3A_180] : memref<40000x128xf32, #tpu.memory_space<hbm>> -> memref<40000x128xf32, #tpu.memory_space<hbm>>
      tpu.enqueue_indirect_dma source(%dma_start3A_181 : memref<40000x128xf32, #tpu.memory_space<hbm>>) target(%arg14 : memref<48x128xf32, #tpu.memory_space<vmem>>) offsets(%arg10 : memref<48xi32, #tpu.memory_space<vmem>>) semaphore(%arg25 : memref<!tpu.dma_semaphore, #tpu.memory_space<semaphore_mem>>)
      %dma_start3A_182 = arith.constant 0 : i32
      %dma_start3A_183 = arith.constant 0 : i32
      %dma_start3A_184 = tpu.memref_slice %arg6[%dma_start3A_182, %dma_start3A_183] : memref<40000x128xf32, #tpu.memory_space<hbm>> -> memref<40000x128xf32, #tpu.memory_space<hbm>>
      tpu.enqueue_indirect_dma source(%dma_start3A_184 : memref<40000x128xf32, #tpu.memory_space<hbm>>) target(%arg15 : memref<48x128xf32, #tpu.memory_space<vmem>>) offsets(%arg11 : memref<48xi32, #tpu.memory_space<vmem>>) semaphore(%arg26 : memref<!tpu.dma_semaphore, #tpu.memory_space<semaphore_mem>>)
    }
    %scan3A_54 = arith.constant 104 : i32
    %dma_wait3A_55 = arith.constant 0 : i32
    %dma_wait3A_56 = arith.constant 0 : i32
    %dma_wait3A_57 = tpu.memref_slice %arg6[%dma_wait3A_55, %dma_wait3A_56] : memref<40000x128xf32, #tpu.memory_space<hbm>> -> memref<40000x128xf32, #tpu.memory_space<hbm>>
    tpu.wait_indirect_dma semaphore(%arg25 : memref<!tpu.dma_semaphore, #tpu.memory_space<semaphore_mem>>) src(%dma_wait3A_57 : memref<40000x128xf32, #tpu.memory_space<hbm>>) dst(%arg14 : memref<48x128xf32, #tpu.memory_space<vmem>>)
    %dma_wait3A_58 = arith.constant 0 : i32
    %dma_wait3A_59 = arith.constant 0 : i32
    %dma_wait3A_60 = tpu.memref_slice %arg6[%dma_wait3A_58, %dma_wait3A_59] : memref<40000x128xf32, #tpu.memory_space<hbm>> -> memref<40000x128xf32, #tpu.memory_space<hbm>>
    tpu.wait_indirect_dma semaphore(%arg26 : memref<!tpu.dma_semaphore, #tpu.memory_space<semaphore_mem>>) src(%dma_wait3A_60 : memref<40000x128xf32, #tpu.memory_space<hbm>>) dst(%arg15 : memref<48x128xf32, #tpu.memory_space<vmem>>)
    %scan3A_61 = arith.constant 0 : i32
    %scan3A_62 = arith.constant 48 : i32
    %scan3A_63 = arith.addi %scan3A_61, %scan3A_62 : i32
    %scan3A_64 = arith.constant 1 : i32
    scf.for %scan3A_74 = %scan3A_61 to %scan3A_63 step %scan3A_64  : i32 {
      %mul3A_75 = arith.constant 1 : i32
      %mul3A_76 = arith.muli %scan3A_74, %mul3A_75 : i32
      %add3A_77 = arith.constant 0 : i32
      %add3A_78 = arith.addi %add3A_77, %mul3A_76 : i32
      %get3A_79 = arith.index_cast %add3A_78 : i32 to index
      %get3A_80 = arith.constant 0 : index
      %get3A_81 = tpu.vector_load %arg13[%get3A_79, %get3A_80] {strides = array<i32>} : memref<48x16xf32, #tpu.memory_space<vmem>>, vector<16xf32>,
      %get3A_82 = arith.index_cast %add3A_78 : i32 to index
      %get3A_83 = arith.constant 0 : index
      %get3A_84 = tpu.vector_load %arg14[%get3A_82, %get3A_83] {strides = array<i32>} : memref<48x128xf32, #tpu.memory_space<vmem>>, vector<16xf32>,
      %get3A_85 = arith.index_cast %add3A_78 : i32 to index
      %get3A_86 = arith.constant 0 : index
      %get3A_87 = tpu.vector_load %arg15[%get3A_85, %get3A_86] {strides = array<i32>} : memref<48x128xf32, #tpu.memory_space<vmem>>, vector<16xf32>,
      %add3A_88 = arith.addf %get3A_84, %get3A_87 : vector<16xf32>
      %mul3A_89 = arith.mulf %get3A_81, %get3A_3 : vector<16xf32>
      %add3A_90 = arith.addf %add3A_88, %mul3A_89 : vector<16xf32>
      %max3A = arith.constant 0.000000e+00 : f32
      %max3A_91 = vector.broadcast %max3A : f32 to vector<16xf32>
      %max3A_92 = arith.maximumf %add3A_90, %max3A_91 : vector<16xf32>
      %swap3A = arith.index_cast %add3A_78 : i32 to index
      %swap3A_93 = arith.constant 0 : index
      %swap3A_94 = tpu.vector_load %arg14[%swap3A, %swap3A_93] {strides = array<i32>} : memref<48x128xf32, #tpu.memory_space<vmem>>, vector<16xf32>,
      tpu.vector_store %arg14[%swap3A, %swap3A_93], %max3A_92 {strides = array<i32>} : memref<48x128xf32, #tpu.memory_space<vmem>>, vector<16xf32>,
      %get3A_95 = arith.index_cast %add3A_78 : i32 to index
      %get3A_96 = arith.constant 16 : index
      %get3A_97 = tpu.vector_load %arg14[%get3A_95, %get3A_96] {strides = array<i32>} : memref<48x128xf32, #tpu.memory_space<vmem>>, vector<16xf32>,
      %get3A_98 = arith.index_cast %add3A_78 : i32 to index
      %get3A_99 = arith.constant 16 : index
      %get3A_100 = tpu.vector_load %arg15[%get3A_98, %get3A_99] {strides = array<i32>} : memref<48x128xf32, #tpu.memory_space<vmem>>, vector<16xf32>,
      %add3A_101 = arith.addf %get3A_97, %get3A_100 : vector<16xf32>
      %mul3A_102 = arith.mulf %get3A_81, %get3A_5 : vector<16xf32>
      %add3A_103 = arith.addf %add3A_101, %mul3A_102 : vector<16xf32>
      %max3A_104 = arith.constant 0.000000e+00 : f32
      %max3A_105 = vector.broadcast %max3A_104 : f32 to vector<16xf32>
      %max3A_106 = arith.maximumf %add3A_103, %max3A_105 : vector<16xf32>
      %swap3A_107 = arith.index_cast %add3A_78 : i32 to index
      %swap3A_108 = arith.constant 16 : index
      %swap3A_109 = tpu.vector_load %arg14[%swap3A_107, %swap3A_108] {strides = array<i32>} : memref<48x128xf32, #tpu.memory_space<vmem>>, vector<16xf32>,
      tpu.vector_store %arg14[%swap3A_107, %swap3A_108], %max3A_106 {strides = array<i32>} : memref<48x128xf32, #tpu.memory_space<vmem>>, vector<16xf32>,
      %get3A_110 = arith.index_cast %add3A_78 : i32 to index
      %get3A_111 = arith.constant 32 : index
      %get3A_112 = tpu.vector_load %arg14[%get3A_110, %get3A_111] {strides = array<i32>} : memref<48x128xf32, #tpu.memory_space<vmem>>, vector<16xf32>,
      %get3A_113 = arith.index_cast %add3A_78 : i32 to index
      %get3A_114 = arith.constant 32 : index
      %get3A_115 = tpu.vector_load %arg15[%get3A_113, %get3A_114] {strides = array<i32>} : memref<48x128xf32, #tpu.memory_space<vmem>>, vector<16xf32>,
      %add3A_116 = arith.addf %get3A_112, %get3A_115 : vector<16xf32>
      %mul3A_117 = arith.mulf %get3A_81, %get3A_7 : vector<16xf32>
      %add3A_118 = arith.addf %add3A_116, %mul3A_117 : vector<16xf32>
      %max3A_119 = arith.constant 0.000000e+00 : f32
      %max3A_120 = vector.broadcast %max3A_119 : f32 to vector<16xf32>
      %max3A_121 = arith.maximumf %add3A_118, %max3A_120 : vector<16xf32>
      %swap3A_122 = arith.index_cast %add3A_78 : i32 to index
      %swap3A_123 = arith.constant 32 : index
      %swap3A_124 = tpu.vector_load %arg14[%swap3A_122, %swap3A_123] {strides = array<i32>} : memref<48x128xf32, #tpu.memory_space<vmem>>, vector<16xf32>,
      tpu.vector_store %arg14[%swap3A_122, %swap3A_123], %max3A_121 {strides = array<i32>} : memref<48x128xf32, #tpu.memory_space<vmem>>, vector<16xf32>,
      %get3A_125 = arith.index_cast %add3A_78 : i32 to index
      %get3A_126 = arith.constant 48 : index
      %get3A_127 = tpu.vector_load %arg14[%get3A_125, %get3A_126] {strides = array<i32>} : memref<48x128xf32, #tpu.memory_space<vmem>>, vector<16xf32>,
      %get3A_128 = arith.index_cast %add3A_78 : i32 to index
      %get3A_129 = arith.constant 48 : index
      %get3A_130 = tpu.vector_load %arg15[%get3A_128, %get3A_129] {strides = array<i32>} : memref<48x128xf32, #tpu.memory_space<vmem>>, vector<16xf32>,
      %add3A_131 = arith.addf %get3A_127, %get3A_130 : vector<16xf32>
      %mul3A_132 = arith.mulf %get3A_81, %get3A_9 : vector<16xf32>
      %add3A_133 = arith.addf %add3A_131, %mul3A_132 : vector<16xf32>
      %max3A_134 = arith.constant 0.000000e+00 : f32
      %max3A_135 = vector.broadcast %max3A_134 : f32 to vector<16xf32>
      %max3A_136 = arith.maximumf %add3A_133, %max3A_135 : vector<16xf32>
      %swap3A_137 = arith.index_cast %add3A_78 : i32 to index
      %swap3A_138 = arith.constant 48 : index
      %swap3A_139 = tpu.vector_load %arg14[%swap3A_137, %swap3A_138] {strides = array<i32>} : memref<48x128xf32, #tpu.memory_space<vmem>>, vector<16xf32>,
      tpu.vector_store %arg14[%swap3A_137, %swap3A_138], %max3A_136 {strides = array<i32>} : memref<48x128xf32, #tpu.memory_space<vmem>>, vector<16xf32>,
      %get3A_140 = arith.index_cast %add3A_78 : i32 to index
      %get3A_141 = arith.constant 64 : index
      %get3A_142 = tpu.vector_load %arg14[%get3A_140, %get3A_141] {strides = array<i32>} : memref<48x128xf32, #tpu.memory_space<vmem>>, vector<16xf32>,
      %get3A_143 = arith.index_cast %add3A_78 : i32 to index
      %get3A_144 = arith.constant 64 : index
      %get3A_145 = tpu.vector_load %arg15[%get3A_143, %get3A_144] {strides = array<i32>} : memref<48x128xf32, #tpu.memory_space<vmem>>, vector<16xf32>,
      %add3A_146 = arith.addf %get3A_142, %get3A_145 : vector<16xf32>
      %mul3A_147 = arith.mulf %get3A_81, %get3A_11 : vector<16xf32>
      %add3A_148 = arith.addf %add3A_146, %mul3A_147 : vector<16xf32>
      %max3A_149 = arith.constant 0.000000e+00 : f32
      %max3A_150 = vector.broadcast %max3A_149 : f32 to vector<16xf32>
      %max3A_151 = arith.maximumf %add3A_148, %max3A_150 : vector<16xf32>
      %swap3A_152 = arith.index_cast %add3A_78 : i32 to index
      %swap3A_153 = arith.constant 64 : index
      %swap3A_154 = tpu.vector_load %arg14[%swap3A_152, %swap3A_153] {strides = array<i32>} : memref<48x128xf32, #tpu.memory_space<vmem>>, vector<16xf32>,
      tpu.vector_store %arg14[%swap3A_152, %swap3A_153], %max3A_151 {strides = array<i32>} : memref<48x128xf32, #tpu.memory_space<vmem>>, vector<16xf32>,
      %get3A_155 = arith.index_cast %add3A_78 : i32 to index
      %get3A_156 = arith.constant 80 : index
      %get3A_157 = tpu.vector_load %arg14[%get3A_155, %get3A_156] {strides = array<i32>} : memref<48x128xf32, #tpu.memory_space<vmem>>, vector<16xf32>,
      %get3A_158 = arith.index_cast %add3A_78 : i32 to index
      %get3A_159 = arith.constant 80 : index
      %get3A_160 = tpu.vector_load %arg15[%get3A_158, %get3A_159] {strides = array<i32>} : memref<48x128xf32, #tpu.memory_space<vmem>>, vector<16xf32>,
      %add3A_161 = arith.addf %get3A_157, %get3A_160 : vector<16xf32>
      %mul3A_162 = arith.mulf %get3A_81, %get3A_13 : vector<16xf32>
      %add3A_163 = arith.addf %add3A_161, %mul3A_162 : vector<16xf32>
      %max3A_164 = arith.constant 0.000000e+00 : f32
      %max3A_165 = vector.broadcast %max3A_164 : f32 to vector<16xf32>
      %max3A_166 = arith.maximumf %add3A_163, %max3A_165 : vector<16xf32>
      %swap3A_167 = arith.index_cast %add3A_78 : i32 to index
      %swap3A_168 = arith.constant 80 : index
      %swap3A_169 = tpu.vector_load %arg14[%swap3A_167, %swap3A_168] {strides = array<i32>} : memref<48x128xf32, #tpu.memory_space<vmem>>, vector<16xf32>,
      tpu.vector_store %arg14[%swap3A_167, %swap3A_168], %max3A_166 {strides = array<i32>} : memref<48x128xf32, #tpu.memory_space<vmem>>, vector<16xf32>,
      %get3A_170 = arith.index_cast %add3A_78 : i32 to index
      %get3A_171 = arith.constant 96 : index
      %get3A_172 = tpu.vector_load %arg14[%get3A_170, %get3A_171] {strides = array<i32>} : memref<48x128xf32, #tpu.memory_space<vmem>>, vector<16xf32>,
      %get3A_173 = arith.index_cast %add3A_78 : i32 to index
      %get3A_174 = arith.constant 96 : index
      %get3A_175 = tpu.vector_load %arg15[%get3A_173, %get3A_174] {strides = array<i32>} : memref<48x128xf32, #tpu.memory_space<vmem>>, vector<16xf32>,
      %add3A_176 = arith.addf %get3A_172, %get3A_175 : vector<16xf32>
      %mul3A_177 = arith.mulf %get3A_81, %get3A_15 : vector<16xf32>
      %add3A_178 = arith.addf %add3A_176, %mul3A_177 : vector<16xf32>
      %max3A_179 = arith.constant 0.000000e+00 : f32
      %max3A_180 = vector.broadcast %max3A_179 : f32 to vector<16xf32>
      %max3A_181 = arith.maximumf %add3A_178, %max3A_180 : vector<16xf32>
      %swap3A_182 = arith.index_cast %add3A_78 : i32 to index
      %swap3A_183 = arith.constant 96 : index
      %swap3A_184 = tpu.vector_load %arg14[%swap3A_182, %swap3A_183] {strides = array<i32>} : memref<48x128xf32, #tpu.memory_space<vmem>>, vector<16xf32>,
      tpu.vector_store %arg14[%swap3A_182, %swap3A_183], %max3A_181 {strides = array<i32>} : memref<48x128xf32, #tpu.memory_space<vmem>>, vector<16xf32>,
      %get3A_185 = arith.index_cast %add3A_78 : i32 to index
      %get3A_186 = arith.constant 112 : index
      %get3A_187 = tpu.vector_load %arg14[%get3A_185, %get3A_186] {strides = array<i32>} : memref<48x128xf32, #tpu.memory_space<vmem>>, vector<16xf32>,
      %get3A_188 = arith.index_cast %add3A_78 : i32 to index
      %get3A_189 = arith.constant 112 : index
      %get3A_190 = tpu.vector_load %arg15[%get3A_188, %get3A_189] {strides = array<i32>} : memref<48x128xf32, #tpu.memory_space<vmem>>, vector<16xf32>,
      %add3A_191 = arith.addf %get3A_187, %get3A_190 : vector<16xf32>
      %mul3A_192 = arith.mulf %get3A_81, %get3A_17 : vector<16xf32>
      %add3A_193 = arith.addf %add3A_191, %mul3A_192 : vector<16xf32>
      %max3A_194 = arith.constant 0.000000e+00 : f32
      %max3A_195 = vector.broadcast %max3A_194 : f32 to vector<16xf32>
      %max3A_196 = arith.maximumf %add3A_193, %max3A_195 : vector<16xf32>
      %swap3A_197 = arith.index_cast %add3A_78 : i32 to index
      %swap3A_198 = arith.constant 112 : index
      %swap3A_199 = tpu.vector_load %arg14[%swap3A_197, %swap3A_198] {strides = array<i32>} : memref<48x128xf32, #tpu.memory_space<vmem>>, vector<16xf32>,
      tpu.vector_store %arg14[%swap3A_197, %swap3A_198], %max3A_196 {strides = array<i32>} : memref<48x128xf32, #tpu.memory_space<vmem>>, vector<16xf32>,
    }
    %scan3A_65 = arith.constant 48 : i32
    "tpu.region"() ({
      %run_scoped3A = tpu.sem_alloc : memref<!tpu.dma_semaphore, #tpu.memory_space<semaphore_mem>>
      %dma_start3A_74 = arith.constant 0 : i32
      %dma_start3A_75 = arith.constant 0 : i32
      %dma_start3A_76 = tpu.memref_slice %arg23[%dma_start3A_74, %dma_start3A_75] : memref<10240x128xf32, #tpu.memory_space<vmem_shared>> -> memref<10240x128xf32, #tpu.memory_space<vmem_shared>>
      tpu.enqueue_indirect_dma source(%arg14 : memref<48x128xf32, #tpu.memory_space<vmem>>) target(%dma_start3A_76 : memref<10240x128xf32, #tpu.memory_space<vmem_shared>>) offsets(%arg12 : memref<48xi32, #tpu.memory_space<vmem>>) semaphore(%run_scoped3A : memref<!tpu.dma_semaphore, #tpu.memory_space<semaphore_mem>>) {add = true}
      %dma_wait3A_77 = arith.constant 0 : i32
      %dma_wait3A_78 = arith.constant 0 : i32
      %dma_wait3A_79 = tpu.memref_slice %arg23[%dma_wait3A_77, %dma_wait3A_78] : memref<10240x128xf32, #tpu.memory_space<vmem_shared>> -> memref<10240x128xf32, #tpu.memory_space<vmem_shared>>
      tpu.wait_indirect_dma semaphore(%run_scoped3A : memref<!tpu.dma_semaphore, #tpu.memory_space<semaphore_mem>>) src(%arg14 : memref<48x128xf32, #tpu.memory_space<vmem>>) dst(%dma_wait3A_79 : memref<10240x128xf32, #tpu.memory_space<vmem_shared>>)
      tpu.yield
    }) : () -> ()
    %barrier3A_66 = arith.constant 0 : index
    tpu.barrier barrier_id(%barrier3A_66)
    %mul3A_67 = arith.constant 640 : i32
    %mul3A_68 = arith.muli %arg1, %mul3A_67 : i32
    %mul3A_69 = arith.constant 10240 : i32
    %mul3A_70 = arith.muli %arg0, %mul3A_69 : i32
    %mul3A_71 = arith.constant 640 : i32
    %mul3A_72 = arith.muli %arg1, %mul3A_71 : i32
    %add3A_73 = arith.addi %mul3A_70, %mul3A_72 : i32
    "tpu.region"() ({
      %run_scoped3A = tpu.sem_alloc : memref<!tpu.dma_semaphore, #tpu.memory_space<semaphore_mem>>
      %dma_start3A_74 = arith.constant 0 : i32
      %dma_start3A_75 = tpu.memref_slice %arg9[%add3A_73, %dma_start3A_74] : memref<20480x128xf32, #tpu.memory_space<hbm>> -> memref<640x128xf32, #tpu.memory_space<hbm>>
      %dma_start3A_76 = arith.constant 0 : i32
      %dma_start3A_77 = tpu.memref_slice %arg23[%mul3A_68, %dma_start3A_76] : memref<10240x128xf32, #tpu.memory_space<vmem_shared>> -> memref<640x128xf32, #tpu.memory_space<vmem_shared>>
      tpu.enqueue_dma source(%dma_start3A_77 : memref<640x128xf32, #tpu.memory_space<vmem_shared>>) target(%dma_start3A_75 : memref<640x128xf32, #tpu.memory_space<hbm>>) target_semaphore(%run_scoped3A : memref<!tpu.dma_semaphore, #tpu.memory_space<semaphore_mem>>)
      %dma_wait3A_78 = arith.constant 0 : i32
      %dma_wait3A_79 = tpu.memref_slice %arg9[%add3A_73, %dma_wait3A_78] : memref<20480x128xf32, #tpu.memory_space<hbm>> -> memref<640x128xf32, #tpu.memory_space<hbm>>
      %dma_wait3A_80 = arith.constant 0 : i32
      %dma_wait3A_81 = tpu.memref_slice %arg23[%mul3A_68, %dma_wait3A_80] : memref<10240x128xf32, #tpu.memory_space<vmem_shared>> -> memref<640x128xf32, #tpu.memory_space<vmem_shared>>
      tpu.wait_dma2 semaphore(%run_scoped3A : memref<!tpu.dma_semaphore, #tpu.memory_space<semaphore_mem>>) src(%dma_wait3A_81 : memref<640x128xf32, #tpu.memory_space<vmem_shared>>) dst(%dma_wait3A_79 : memref<640x128xf32, #tpu.memory_space<hbm>>)
      tpu.yield
    }) : () -> ()
    return
  }
}

module attributes {stable_mosaic.version = 14 : i64} {
  func.func @_precompute_body(%arg0: i32, %arg1: i32, %arg2: i32, %arg3: memref<1000x256xf32, #tpu.memory_space<vmem>>, %arg4: memref<256x128xf32, #tpu.memory_space<vmem>>, %arg5: memref<1x1x128xf32, #tpu.memory_space<vmem>>, %arg6: memref<1000x128xf32, #tpu.memory_space<vmem>>) attributes {dimension_semantics = [#tpu.dimension_semantics<arbitrary>, #tpu.dimension_semantics<arbitrary>, #tpu.dimension_semantics<arbitrary>], iteration_bounds = array<i64: 2, 2, 10>, scalar_prefetch = 0 : i64, scratch_operands = 0 : i64, tpu.core_type = #tpu.core_type<tc>, window_params = [{transform_indices = @transform_0, window_bounds = array<i64: 1000, 256>}, {transform_indices = @transform_1, window_bounds = array<i64: 256, 128>}, {transform_indices = @transform_2, window_bounds = array<i64: 1, 1, 128>}, {transform_indices = @transform_3, window_bounds = array<i64: 1000, 128>}]} {
    %get3A = arith.constant 0 : index
    %get3A_0 = arith.constant 0 : index
    %get3A_1 = vector.load %arg3[%get3A, %get3A_0] : memref<1000x256xf32, #tpu.memory_space<vmem>>, vector<1000x256xf32>
    %convert_element_type3A = arith.truncf %get3A_1 : vector<1000x256xf32> to vector<1000x256xbf16>
    %get3A_2 = arith.constant 0 : index
    %get3A_3 = arith.constant 0 : index
    %get3A_4 = vector.load %arg4[%get3A_2, %get3A_3] : memref<256x128xf32, #tpu.memory_space<vmem>>, vector<256x128xf32>
    %convert_element_type3A_5 = arith.truncf %get3A_4 : vector<256x128xf32> to vector<256x128xbf16>
    %dot_general3A = arith.constant dense<0.000000e+00> : vector<1000x128xf32>
    %dot_general3A_6 = tpu.matmul %convert_element_type3A, %convert_element_type3A_5, %dot_general3A {dimension_numbers = #tpu.dot_dimension_numbers<[1], [0], [0], [1], [0, 0, 1, 1], [], []>, transpose_lhs_hint = false} : vector<1000x256xbf16>, vector<256x128xbf16>, vector<1000x128xf32> -> vector<1000x128xf32>
    %get3A_7 = arith.constant 0 : index
    %get3A_8 = arith.constant 0 : index
    %get3A_9 = arith.constant 0 : index
    %get3A_10 = vector.load %arg5[%get3A_7, %get3A_8, %get3A_9] : memref<1x1x128xf32, #tpu.memory_space<vmem>>, vector<1x1x128xf32>
    %get3A_11 = vector.shape_cast %get3A_10 : vector<1x1x128xf32> to vector<1x128xf32>
    %add3A = vector.broadcast %get3A_11 : vector<1x128xf32> to vector<1000x128xf32>
    %add3A_12 = arith.addf %dot_general3A_6, %add3A : vector<1000x128xf32>
    %swap3A = arith.constant 0 : index
    %swap3A_13 = arith.constant 0 : index
    %swap3A_14 = vector.load %arg6[%swap3A, %swap3A_13] : memref<1000x128xf32, #tpu.memory_space<vmem>>, vector<1000x128xf32>
    tpu.vector_store %arg6[%swap3A, %swap3A_13], %add3A_12 {strides = array<i32>} : memref<1000x128xf32, #tpu.memory_space<vmem>>, vector<1000x128xf32>,
    return
  }
  func.func @transform_0(%arg0: i32, %arg1: i32, %arg2: i32) -> (i32, i32) {
    %c0_i32 = arith.constant 0 : i32
    %c0_i32_0 = arith.constant 0 : i32
    return %arg2, %c0_i32 : i32, i32
  }
  func.func @transform_1(%arg0: i32, %arg1: i32, %arg2: i32) -> (i32, i32) {
    %c0_i32 = arith.constant 0 : i32
    return %arg0, %arg1 : i32, i32
  }
  func.func @transform_2(%arg0: i32, %arg1: i32, %arg2: i32) -> (i32, i32, i32) {
    %c0_i32 = arith.constant 0 : i32
    %c0_i32_0 = arith.constant 0 : i32
    return %arg0, %c0_i32, %arg1 : i32, i32, i32
  }
  func.func @transform_3(%arg0: i32, %arg1: i32, %arg2: i32) -> (i32, i32) {
    %mul3A = arith.constant 2 : i32
    %mul3A_0 = arith.muli %arg0, %mul3A : i32
    %mul3A_1 = arith.constant 10 : i32
    %mul3A_2 = arith.muli %mul3A_0, %mul3A_1 : i32
    %mul3A_3 = arith.constant 10 : i32
    %mul3A_4 = arith.muli %arg1, %mul3A_3 : i32
    %add3A = arith.addi %mul3A_2, %mul3A_4 : i32
    %add3A_5 = arith.addi %add3A, %arg2 : i32
    %c0_i32 = arith.constant 0 : i32
    %c0_i32_6 = arith.constant 0 : i32
    return %add3A_5, %c0_i32 : i32, i32
  }
}

module attributes {stable_mosaic.version = 14 : i64} {
  func.func @_final_body(%arg0: i32, %arg1: memref<1000x128xf32, #tpu.memory_space<vmem>>, %arg2: memref<1000x128xf32, #tpu.memory_space<vmem>>, %arg3: memref<1000x1xf32, #tpu.memory_space<vmem>>, %arg4: memref<1000x1xf32, #tpu.memory_space<vmem>>, %arg5: memref<1000x128xf32, #tpu.memory_space<vmem>>, %arg6: memref<1000x128xf32, #tpu.memory_space<vmem>>, %arg7: memref<1000x128xf32, #tpu.memory_space<vmem>>, %arg8: memref<1000x128xf32, #tpu.memory_space<vmem>>, %arg9: memref<1000x256xf32, #tpu.memory_space<vmem>>, %arg10: memref<1x256xf32, #tpu.memory_space<vmem>>, %arg11: memref<256x256xf32, #tpu.memory_space<vmem>>, %arg12: memref<1x256xf32, #tpu.memory_space<vmem>>, %arg13: memref<256x256xf32, #tpu.memory_space<vmem>>, %arg14: memref<256x256xf32, #tpu.memory_space<vmem>>, %arg15: memref<1x256xf32, #tpu.memory_space<vmem>>, %arg16: memref<256x256xf32, #tpu.memory_space<vmem>>, %arg17: memref<1x256xf32, #tpu.memory_space<vmem>>, %arg18: memref<1x256xf32, #tpu.memory_space<vmem>>, %arg19: memref<1x256xf32, #tpu.memory_space<vmem>>, %arg20: memref<1000x256xf32, #tpu.memory_space<vmem>>) attributes {dimension_semantics = [#tpu.dimension_semantics<arbitrary>], iteration_bounds = array<i64: 10>, scalar_prefetch = 0 : i64, scratch_operands = 0 : i64, tpu.core_type = #tpu.core_type<tc>, window_params = [{transform_indices = @transform_0, window_bounds = array<i64: 1000, 128>}, {transform_indices = @transform_1, window_bounds = array<i64: 1000, 128>}, {transform_indices = @transform_2, window_bounds = array<i64: 1000, 1>}, {transform_indices = @transform_3, window_bounds = array<i64: 1000, 1>}, {transform_indices = @transform_4, window_bounds = array<i64: 1000, 128>}, {transform_indices = @transform_5, window_bounds = array<i64: 1000, 128>}, {transform_indices = @transform_6, window_bounds = array<i64: 1000, 128>}, {transform_indices = @transform_7, window_bounds = array<i64: 1000, 128>}, {transform_indices = @transform_8, window_bounds = array<i64: 1000, 256>}, {pipeline_mode = #tpu.pipeline_mode<synchronous>, transform_indices = @transform_9, window_bounds = array<i64: 1, 256>}, {pipeline_mode = #tpu.pipeline_mode<synchronous>, transform_indices = @transform_10, window_bounds = array<i64: 256, 256>}, {pipeline_mode = #tpu.pipeline_mode<synchronous>, transform_indices = @transform_11, window_bounds = array<i64: 1, 256>}, {pipeline_mode = #tpu.pipeline_mode<synchronous>, transform_indices = @transform_12, window_bounds = array<i64: 256, 256>}, {pipeline_mode = #tpu.pipeline_mode<synchronous>, transform_indices = @transform_13, window_bounds = array<i64: 256, 256>}, {pipeline_mode = #tpu.pipeline_mode<synchronous>, transform_indices = @transform_14, window_bounds = array<i64: 1, 256>}, {pipeline_mode = #tpu.pipeline_mode<synchronous>, transform_indices = @transform_15, window_bounds = array<i64: 256, 256>}, {pipeline_mode = #tpu.pipeline_mode<synchronous>, transform_indices = @transform_16, window_bounds = array<i64: 1, 256>}, {pipeline_mode = #tpu.pipeline_mode<synchronous>, transform_indices = @transform_17, window_bounds = array<i64: 1, 256>}, {pipeline_mode = #tpu.pipeline_mode<synchronous>, transform_indices = @transform_18, window_bounds = array<i64: 1, 256>}, {transform_indices = @transform_19, window_bounds = array<i64: 1000, 256>}]} {
    %get3A = arith.constant 0 : index
    %get3A_0 = arith.constant 0 : index
    %get3A_1 = vector.load %arg5[%get3A, %get3A_0] : memref<1000x128xf32, #tpu.memory_space<vmem>>, vector<1000x128xf32>
    %get3A_2 = arith.constant 0 : index
    %get3A_3 = arith.constant 0 : index
    %get3A_4 = vector.load %arg6[%get3A_2, %get3A_3] : memref<1000x128xf32, #tpu.memory_space<vmem>>, vector<1000x128xf32>
    %concatenate3A = tpu.concatenate %get3A_1, %get3A_4 in 1 : vector<1000x128xf32>, vector<1000x128xf32> -> vector<1000x256xf32>
    %get3A_5 = arith.constant 0 : index
    %get3A_6 = arith.constant 0 : index
    %get3A_7 = vector.load %arg7[%get3A_5, %get3A_6] : memref<1000x128xf32, #tpu.memory_space<vmem>>, vector<1000x128xf32>
    %get3A_8 = arith.constant 0 : index
    %get3A_9 = arith.constant 0 : index
    %get3A_10 = vector.load %arg8[%get3A_8, %get3A_9] : memref<1000x128xf32, #tpu.memory_space<vmem>>, vector<1000x128xf32>
    %concatenate3A_11 = tpu.concatenate %get3A_7, %get3A_10 in 1 : vector<1000x128xf32>, vector<1000x128xf32> -> vector<1000x256xf32>
    %add3A = arith.addf %concatenate3A, %concatenate3A_11 : vector<1000x256xf32>
    %get3A_12 = arith.constant 0 : index
    %get3A_13 = arith.constant 0 : index
    %get3A_14 = vector.load %arg10[%get3A_12, %get3A_13] : memref<1x256xf32, #tpu.memory_space<vmem>>, vector<1x256xf32>
    %add3A_15 = vector.broadcast %get3A_14 : vector<1x256xf32> to vector<1000x256xf32>
    %add3A_16 = arith.addf %add3A, %add3A_15 : vector<1000x256xf32>
    %max3A = arith.constant 0.000000e+00 : f32
    %max3A_17 = vector.broadcast %max3A : f32 to vector<1000x256xf32>
    %max3A_18 = arith.maximumf %add3A_16, %max3A_17 : vector<1000x256xf32>
    %get3A_19 = arith.constant 0 : index
    %get3A_20 = arith.constant 0 : index
    %get3A_21 = vector.load %arg1[%get3A_19, %get3A_20] : memref<1000x128xf32, #tpu.memory_space<vmem>>, vector<1000x128xf32>
    %get3A_22 = arith.constant 0 : index
    %get3A_23 = arith.constant 0 : index
    %get3A_24 = vector.load %arg2[%get3A_22, %get3A_23] : memref<1000x128xf32, #tpu.memory_space<vmem>>, vector<1000x128xf32>
    %concatenate3A_25 = tpu.concatenate %get3A_21, %get3A_24 in 1 : vector<1000x128xf32>, vector<1000x128xf32> -> vector<1000x256xf32>
    %add3A_26 = arith.addf %concatenate3A_25, %max3A_18 : vector<1000x256xf32>
    %get3A_27 = arith.constant 0 : index
    %get3A_28 = arith.constant 0 : index
    %get3A_29 = vector.load %arg3[%get3A_27, %get3A_28] : memref<1000x1xf32, #tpu.memory_space<vmem>>, vector<1000x1xf32>
    %get3A_30 = arith.constant 0 : index
    %get3A_31 = arith.constant 0 : index
    %get3A_32 = vector.load %arg4[%get3A_30, %get3A_31] : memref<1000x1xf32, #tpu.memory_space<vmem>>, vector<1000x1xf32>
    %add3A_33 = arith.addf %get3A_29, %get3A_32 : vector<1000x1xf32>
    %add3A_34 = arith.constant 1.000000e+00 : f32
    %add3A_35 = vector.broadcast %add3A_34 : f32 to vector<1000x1xf32>
    %add3A_36 = arith.addf %add3A_33, %add3A_35 : vector<1000x1xf32>
    %convert_element_type3A = arith.truncf %add3A_26 : vector<1000x256xf32> to vector<1000x256xbf16>
    %get3A_37 = arith.constant 0 : index
    %get3A_38 = arith.constant 0 : index
    %get3A_39 = vector.load %arg11[%get3A_37, %get3A_38] : memref<256x256xf32, #tpu.memory_space<vmem>>, vector<256x256xf32>
    %convert_element_type3A_40 = arith.truncf %get3A_39 : vector<256x256xf32> to vector<256x256xbf16>
    %dot_general3A = arith.constant dense<0.000000e+00> : vector<1000x256xf32>
    %dot_general3A_41 = tpu.matmul %convert_element_type3A, %convert_element_type3A_40, %dot_general3A {dimension_numbers = #tpu.dot_dimension_numbers<[1], [0], [0], [1], [0, 0, 1, 1], [], []>, transpose_lhs_hint = false} : vector<1000x256xbf16>, vector<256x256xbf16>, vector<1000x256xf32> -> vector<1000x256xf32>
    %div3A = vector.broadcast %add3A_36 : vector<1000x1xf32> to vector<1000x256xf32>
    %div3A_42 = arith.divf %dot_general3A_41, %div3A : vector<1000x256xf32>
    %get3A_43 = arith.constant 0 : index
    %get3A_44 = arith.constant 0 : index
    %get3A_45 = vector.load %arg12[%get3A_43, %get3A_44] : memref<1x256xf32, #tpu.memory_space<vmem>>, vector<1x256xf32>
    %add3A_46 = vector.broadcast %get3A_45 : vector<1x256xf32> to vector<1000x256xf32>
    %add3A_47 = arith.addf %div3A_42, %add3A_46 : vector<1000x256xf32>
    %get3A_48 = arith.constant 0 : index
    %get3A_49 = arith.constant 0 : index
    %get3A_50 = vector.load %arg9[%get3A_48, %get3A_49] : memref<1000x256xf32, #tpu.memory_space<vmem>>, vector<1000x256xf32>
    %convert_element_type3A_51 = arith.truncf %get3A_50 : vector<1000x256xf32> to vector<1000x256xbf16>
    %get3A_52 = arith.constant 0 : index
    %get3A_53 = arith.constant 0 : index
    %get3A_54 = vector.load %arg13[%get3A_52, %get3A_53] : memref<256x256xf32, #tpu.memory_space<vmem>>, vector<256x256xf32>
    %convert_element_type3A_55 = arith.truncf %get3A_54 : vector<256x256xf32> to vector<256x256xbf16>
    %dot_general3A_56 = arith.constant dense<0.000000e+00> : vector<1000x256xf32>
    %dot_general3A_57 = tpu.matmul %convert_element_type3A_51, %convert_element_type3A_55, %dot_general3A_56 {dimension_numbers = #tpu.dot_dimension_numbers<[1], [0], [0], [1], [0, 0, 1, 1], [], []>, transpose_lhs_hint = false} : vector<1000x256xbf16>, vector<256x256xbf16>, vector<1000x256xf32> -> vector<1000x256xf32>
    %convert_element_type3A_58 = arith.truncf %add3A_47 : vector<1000x256xf32> to vector<1000x256xbf16>
    %get3A_59 = arith.constant 0 : index
    %get3A_60 = arith.constant 0 : index
    %get3A_61 = vector.load %arg14[%get3A_59, %get3A_60] : memref<256x256xf32, #tpu.memory_space<vmem>>, vector<256x256xf32>
    %convert_element_type3A_62 = arith.truncf %get3A_61 : vector<256x256xf32> to vector<256x256xbf16>
    %dot_general3A_63 = arith.constant dense<0.000000e+00> : vector<1000x256xf32>
    %dot_general3A_64 = tpu.matmul %convert_element_type3A_58, %convert_element_type3A_62, %dot_general3A_63 {dimension_numbers = #tpu.dot_dimension_numbers<[1], [0], [0], [1], [0, 0, 1, 1], [], []>, transpose_lhs_hint = false} : vector<1000x256xbf16>, vector<256x256xbf16>, vector<1000x256xf32> -> vector<1000x256xf32>
    %add3A_65 = arith.addf %dot_general3A_57, %dot_general3A_64 : vector<1000x256xf32>
    %get3A_66 = arith.constant 0 : index
    %get3A_67 = arith.constant 0 : index
    %get3A_68 = vector.load %arg15[%get3A_66, %get3A_67] : memref<1x256xf32, #tpu.memory_space<vmem>>, vector<1x256xf32>
    %add3A_69 = vector.broadcast %get3A_68 : vector<1x256xf32> to vector<1000x256xf32>
    %add3A_70 = arith.addf %add3A_65, %add3A_69 : vector<1000x256xf32>
    %max3A_71 = arith.constant 0.000000e+00 : f32
    %max3A_72 = vector.broadcast %max3A_71 : f32 to vector<1000x256xf32>
    %max3A_73 = arith.maximumf %add3A_70, %max3A_72 : vector<1000x256xf32>
    %convert_element_type3A_74 = arith.truncf %max3A_73 : vector<1000x256xf32> to vector<1000x256xbf16>
    %get3A_75 = arith.constant 0 : index
    %get3A_76 = arith.constant 0 : index
    %get3A_77 = vector.load %arg16[%get3A_75, %get3A_76] : memref<256x256xf32, #tpu.memory_space<vmem>>, vector<256x256xf32>
    %convert_element_type3A_78 = arith.truncf %get3A_77 : vector<256x256xf32> to vector<256x256xbf16>
    %dot_general3A_79 = arith.constant dense<0.000000e+00> : vector<1000x256xf32>
    %dot_general3A_80 = tpu.matmul %convert_element_type3A_74, %convert_element_type3A_78, %dot_general3A_79 {dimension_numbers = #tpu.dot_dimension_numbers<[1], [0], [0], [1], [0, 0, 1, 1], [], []>, transpose_lhs_hint = false} : vector<1000x256xbf16>, vector<256x256xbf16>, vector<1000x256xf32> -> vector<1000x256xf32>
    %get3A_81 = arith.constant 0 : index
    %get3A_82 = arith.constant 0 : index
    %get3A_83 = vector.load %arg17[%get3A_81, %get3A_82] : memref<1x256xf32, #tpu.memory_space<vmem>>, vector<1x256xf32>
    %add3A_84 = vector.broadcast %get3A_83 : vector<1x256xf32> to vector<1000x256xf32>
    %add3A_85 = arith.addf %dot_general3A_80, %add3A_84 : vector<1000x256xf32>
    %add3A_86 = arith.addf %add3A_85, %get3A_50 : vector<1000x256xf32>
    %get3A_87 = arith.constant 0 : index
    %get3A_88 = arith.constant 0 : index
    %get3A_89 = vector.load %arg18[%get3A_87, %get3A_88] : memref<1x256xf32, #tpu.memory_space<vmem>>, vector<1x256xf32>
    %mul3A = vector.broadcast %get3A_89 : vector<1x256xf32> to vector<1000x256xf32>
    %mul3A_90 = arith.mulf %add3A_86, %mul3A : vector<1000x256xf32>
    %get3A_91 = arith.constant 0 : index
    %get3A_92 = arith.constant 0 : index
    %get3A_93 = vector.load %arg19[%get3A_91, %get3A_92] : memref<1x256xf32, #tpu.memory_space<vmem>>, vector<1x256xf32>
    %add3A_94 = vector.broadcast %get3A_93 : vector<1x256xf32> to vector<1000x256xf32>
    %add3A_95 = arith.addf %mul3A_90, %add3A_94 : vector<1000x256xf32>
    %max3A_96 = arith.constant 0.000000e+00 : f32
    %max3A_97 = vector.broadcast %max3A_96 : f32 to vector<1000x256xf32>
    %max3A_98 = arith.maximumf %add3A_95, %max3A_97 : vector<1000x256xf32>
    %swap3A = arith.constant 0 : index
    %swap3A_99 = arith.constant 0 : index
    %swap3A_100 = vector.load %arg20[%swap3A, %swap3A_99] : memref<1000x256xf32, #tpu.memory_space<vmem>>, vector<1000x256xf32>
    tpu.vector_store %arg20[%swap3A, %swap3A_99], %max3A_98 {strides = array<i32>} : memref<1000x256xf32, #tpu.memory_space<vmem>>, vector<1000x256xf32>,
    return
  }
  func.func @transform_0(%arg0: i32) -> (i32, i32) {
    %c0_i32 = arith.constant 0 : i32
    %c0_i32_0 = arith.constant 0 : i32
    return %arg0, %c0_i32 : i32, i32
  }
  func.func @transform_1(%arg0: i32) -> (i32, i32) {
    %c0_i32 = arith.constant 0 : i32
    %c0_i32_0 = arith.constant 0 : i32
    return %arg0, %c0_i32 : i32, i32
  }
  func.func @transform_2(%arg0: i32) -> (i32, i32) {
    %c0_i32 = arith.constant 0 : i32
    %c0_i32_0 = arith.constant 0 : i32
    return %arg0, %c0_i32 : i32, i32
  }
  func.func @transform_3(%arg0: i32) -> (i32, i32) {
    %c0_i32 = arith.constant 0 : i32
    %c0_i32_0 = arith.constant 0 : i32
    return %arg0, %c0_i32 : i32, i32
  }
  func.func @transform_4(%arg0: i32) -> (i32, i32) {
    %c0_i32 = arith.constant 0 : i32
    %c0_i32_0 = arith.constant 0 : i32
    return %arg0, %c0_i32 : i32, i32
  }
  func.func @transform_5(%arg0: i32) -> (i32, i32) {
    %add3A = arith.constant 10 : i32
    %add3A_0 = arith.addi %add3A, %arg0 : i32
    %c0_i32 = arith.constant 0 : i32
    %c0_i32_1 = arith.constant 0 : i32
    return %add3A_0, %c0_i32 : i32, i32
  }
  func.func @transform_6(%arg0: i32) -> (i32, i32) {
    %add3A = arith.constant 20 : i32
    %add3A_0 = arith.addi %add3A, %arg0 : i32
    %c0_i32 = arith.constant 0 : i32
    %c0_i32_1 = arith.constant 0 : i32
    return %add3A_0, %c0_i32 : i32, i32
  }
  func.func @transform_7(%arg0: i32) -> (i32, i32) {
    %add3A = arith.constant 30 : i32
    %add3A_0 = arith.addi %add3A, %arg0 : i32
    %c0_i32 = arith.constant 0 : i32
    %c0_i32_1 = arith.constant 0 : i32
    return %add3A_0, %c0_i32 : i32, i32
  }
  func.func @transform_8(%arg0: i32) -> (i32, i32) {
    %c0_i32 = arith.constant 0 : i32
    %c0_i32_0 = arith.constant 0 : i32
    return %arg0, %c0_i32 : i32, i32
  }
  func.func @transform_9(%arg0: i32) -> (i32, i32) {
    %c0_i32 = arith.constant 0 : i32
    %c0_i32_0 = arith.constant 0 : i32
    %c0_i32_1 = arith.constant 0 : i32
    return %c0_i32, %c0_i32_0 : i32, i32
  }
  func.func @transform_10(%arg0: i32) -> (i32, i32) {
    %c0_i32 = arith.constant 0 : i32
    %c0_i32_0 = arith.constant 0 : i32
    %c0_i32_1 = arith.constant 0 : i32
    return %c0_i32, %c0_i32_0 : i32, i32
  }
  func.func @transform_11(%arg0: i32) -> (i32, i32) {
    %c0_i32 = arith.constant 0 : i32
    %c0_i32_0 = arith.constant 0 : i32
    %c0_i32_1 = arith.constant 0 : i32
    return %c0_i32, %c0_i32_0 : i32, i32
  }
  func.func @transform_12(%arg0: i32) -> (i32, i32) {
    %c0_i32 = arith.constant 0 : i32
    %c0_i32_0 = arith.constant 0 : i32
    %c0_i32_1 = arith.constant 0 : i32
    return %c0_i32, %c0_i32_0 : i32, i32
  }
  func.func @transform_13(%arg0: i32) -> (i32, i32) {
    %c0_i32 = arith.constant 0 : i32
    %c0_i32_0 = arith.constant 0 : i32
    %c0_i32_1 = arith.constant 0 : i32
    return %c0_i32, %c0_i32_0 : i32, i32
  }
  func.func @transform_14(%arg0: i32) -> (i32, i32) {
    %c0_i32 = arith.constant 0 : i32
    %c0_i32_0 = arith.constant 0 : i32
    %c0_i32_1 = arith.constant 0 : i32
    return %c0_i32, %c0_i32_0 : i32, i32
  }
  func.func @transform_15(%arg0: i32) -> (i32, i32) {
    %c0_i32 = arith.constant 0 : i32
    %c0_i32_0 = arith.constant 0 : i32
    %c0_i32_1 = arith.constant 0 : i32
    return %c0_i32, %c0_i32_0 : i32, i32
  }
  func.func @transform_16(%arg0: i32) -> (i32, i32) {
    %c0_i32 = arith.constant 0 : i32
    %c0_i32_0 = arith.constant 0 : i32
    %c0_i32_1 = arith.constant 0 : i32
    return %c0_i32, %c0_i32_0 : i32, i32
  }
  func.func @transform_17(%arg0: i32) -> (i32, i32) {
    %c0_i32 = arith.constant 0 : i32
    %c0_i32_0 = arith.constant 0 : i32
    %c0_i32_1 = arith.constant 0 : i32
    return %c0_i32, %c0_i32_0 : i32, i32
  }
  func.func @transform_18(%arg0: i32) -> (i32, i32) {
    %c0_i32 = arith.constant 0 : i32
    %c0_i32_0 = arith.constant 0 : i32
    %c0_i32_1 = arith.constant 0 : i32
    return %c0_i32, %c0_i32_0 : i32, i32
  }
  func.func @transform_19(%arg0: i32) -> (i32, i32) {
    %c0_i32 = arith.constant 0 : i32
    %c0_i32_0 = arith.constant 0 : i32
    return %arg0, %c0_i32 : i32, i32
  }
}

</mosaic_0001>

<sc_bundles>
// kernel: kernel.6.cloned.1.call-start
scs
__scs_entry_jumppad:
0x0: {  	(pc) =	sbr.rel $0x88, $3  }
0x1: {  	(tag) =	ssettag $0x0;
	lr =	simm.s32 $0x1  }
0x2: {  	[smem:$0x3F94] =	sst lr;
	_ =	strace $0xD0000000  }
0x3: {  	_ = 	snop  }
0x4: {  	_ = 	snop  }
0x5: {  	_ = 	snop  }
0x6: {  	_ = 	snop  }
0x7: {  	_ = 	snop  }
__scs_overlays_trampoline_lowered:
0x8: {  	[smem:$0x3FA3] =	sst s0  }
0x9: {  	[smem:$0x3FA4] =	sst s1  }
0xa: {  	[smem:$0x3FA5] =	sst s2  }
0xb: {  	[smem:$0x3FA6] =	sst s3  }
0xc: {  	[smem:$0x3FA7] =	sst s4  }
0xd: {  	[smem:$0x3FA8] =	sst s5  }
0xe: {  	[smem:$0x3FA9] =	sst s6  }
0xf: {  	[smem:$0x3FAA] =	sst s7  }
0x10: {  	[smem:$0x3FAB] =	sst s8  }
0x11: {  	[smem:$0x3FAC] =	sst s9;
	s0 =	simm.s32 @!p0 $0x0  }
0x12: {  	s1 =	sld [smem:$0x3F92];
	s0 =	simm.s32 @p0 $0x1  }
0x13: {  	[smem:$0x3FAD] =	sst s0;
	s0 =	simm.s32 @!p1 $0x0  }
0x14: {  	s2 =	sld [smem:$0x3F91];
	s0 =	simm.s32 @p1 $0x1  }
0x15: {  	[smem:$0x3FAE] =	sst s0;
	s0 =	simm.s32 @!p2 $0x0  }
0x16: {  	s3 =	sld [smem:$0x3FDB];
	s0 =	simm.s32 @p2 $0x1  }
0x17: {  	s4 =	simm.s32 $0x1BF5;
	[smem:$0x3FB0] =	sst s0  }
0x18: {  	s0 =	sld [smem:$0x3F93];
	_ =	swait.ge [sflag:s4], $0x0  }
0x19: {  	s7 =	sld [smem:$0x3F94]  }
0x1a: {  	s8 =	sadd.s32 $0xFFFFE003, lr  }
0x1b: {  	s9 =	sadd.s32 $0xFFFFFEF7, lr;
	s5 =	simm.s32 $0xFFFFFFFF;
	p2 =	slt.u32 s8, $0xFFFFF086  }
0x1c: {  	p1 =	slt.u32 s9, $0xF7A;
	s5 =	simm.s32 @!p2 $0x0  }
0x1d: {  	s5 =	simm.s32 @p1 $0x1;
	p0 =	seq.s32 s7, s2  }
0x1e: {  	s7 =	smul.u32 @!p0 $0xF7A, s2;
	p2 =	seq.s32 @!p0 s5, $0x0  }
0x1f: {  	s9 =	smul.u32 $0xF7A, s1;
	s8 =	simm.s32 @!p0 $0x1BF5;
	p2 =	por !p2, p0  }
0x20: {  	[sflag:s8] =	ssyncset.s32 @!p0 $0xFFFFF086;
	s6 =	sadd.s32 @!p0 s3, s7;
	s7 =	simm.s32 @!p0 $0x108  }
0x21: {  	s3 =	sadd.s32 s3, s9;
	s6 =	sadd.s32 @!p0 $0x88, s6;
	s7 =	simm.s32 @p2 $0x1082  }
0x22: {  	[simem:s7], [sflag:s8] =	dma.local @!p0 [hbm:s6], $0xF7A  }
0x23: {  	s9 =	sor.u32 $0xD0000000, s2;
	s6 =	simm.s32 $0x108;
	_ =	swait.ge @!p0 [sflag:s8], $0x0  }
0x24: {  	s3 =	sadd.s32 $0x88, s3;
	s6 =	simm.s32 @!p1 $0x1082;
	[sflag:s4] =	ssyncset.s32 $0xFFFFF086  }
0x25: {  	[simem:s6], [sflag:s4] =	dma.local [hbm:s3], $0xF7A  }
0x26: {  	[smem:$0x3F94] =	sst s1;
	(tag) =	ssettag s2;
	_ =	strace s9  }
0x27: {  	s1 =	sld [smem:$0x3FA4]  }
0x28: {  	s2 =	sld [smem:$0x3FA5]  }
0x29: {  	s4 =	sld [smem:$0x3FA7]  }
0x2a: {  	p0 =	seq.s32 s5, $0x0;
	s5 =	sld [smem:$0x3FA8]  }
0x2b: {  	s6 =	sld [smem:$0x3FA9]  }
0x2c: {  	s7 =	sld [smem:$0x3FAA]  }
0x2d: {  	s3 =	simm.s32 $0x108;
	s8 =	sld [smem:$0x3FAB]  }
0x2e: {  	s3 =	simm.s32 @!p0 $0x1082;
	s9 =	sld [smem:$0x3FAC]  }
0x2f: {  	lr =	sadd.s32 s0, s3;
	s0 =	sld [smem:$0x3FA3]  }
0x30: {  	s3 =	sld [smem:$0x3FA6]  }
0x31: {  	[smem:$0x3FAF] =	sst s10  }
0x32: {  	s10 =	sld [smem:$0x3FAD];
	_ =	sdelay $0x3  }
0x33: {  	p0 =	seq.s32 s10, $0x1;
	s10 =	sld [smem:$0x3FAF];
	_ =	sdelay $0x3  }
0x34: {  	[smem:$0x3FAF] =	sst s10  }
0x35: {  	s10 =	sld [smem:$0x3FAE];
	_ =	sdelay $0x3  }
0x36: {  	p1 =	seq.s32 s10, $0x1;
	s10 =	sld [smem:$0x3FAF];
	_ =	sdelay $0x3  }
0x37: {  	[smem:$0x3FAF] =	sst s10  }
0x38: {  	s10 =	sld [smem:$0x3FB0]  }
0x39: {  	_ = 	snop;
	(pc) =	sbr.ind lr, $3  }
0x3a: {  	_ = 	snop  }
0x3b: {  	_ = 	snop  }
0x3c: {  	p2 =	seq.s32 s10, $0x1;
	s10 =	sld [smem:$0x3FAF]  }
0x3d: {  	_ =	shalt  }
0x3e: {  	_ =	shalt  }
0x3f: {  	_ =	shalt  }
0x40: {  	_ =	shalt  }
0x41: {  	_ =	shalt  }
0x42: {  	_ =	shalt  }
0x43: {  	_ =	shalt  }
0x44: {  	_ =	shalt  }
0x45: {  	_ =	shalt  }
0x46: {  	_ =	shalt  }
0x47: {  	_ =	shalt  }
0x48: {  	_ =	shalt  }
0x49: {  	_ =	shalt  }
0x4a: {  	_ =	shalt  }
0x4b: {  	_ =	shalt  }
0x4c: {  	_ =	shalt  }
0x4d: {  	_ =	shalt  }
0x4e: {  	_ =	shalt  }
0x4f: {  	_ =	shalt  }
0x50: {  	_ =	shalt  }
0x51: {  	_ =	shalt  }
0x52: {  	_ =	shalt  }
0x53: {  	_ =	shalt  }
0x54: {  	_ =	shalt  }
0x55: {  	_ =	shalt  }
0x56: {  	_ =	shalt  }
0x57: {  	_ =	shalt  }
0x58: {  	_ =	shalt  }
0x59: {  	_ =	shalt  }
0x5a: {  	_ =	shalt  }
0x5b: {  	_ =	shalt  }
0x5c: {  	_ =	shalt  }
0x5d: {  	_ =	shalt  }
0x5e: {  	_ =	shalt  }
0x5f: {  	_ =	shalt  }
0x60: {  	_ =	shalt  }
0x61: {  	_ =	shalt  }
0x62: {  	_ =	shalt  }
0x63: {  	_ =	shalt  }
0x64: {  	_ =	shalt  }
0x65: {  	_ =	shalt  }
0x66: {  	_ =	shalt  }
0x67: {  	_ =	shalt  }
0x68: {  	_ =	shalt  }
0x69: {  	_ =	shalt  }
0x6a: {  	_ =	shalt  }
0x6b: {  	_ =	shalt  }
0x6c: {  	_ =	shalt  }
0x6d: {  	_ =	shalt  }
0x6e: {  	_ =	shalt  }
0x6f: {  	_ =	shalt  }
0x70: {  	_ =	shalt  }
0x71: {  	_ =	shalt  }
0x72: {  	_ =	shalt  }
0x73: {  	_ =	shalt  }
0x74: {  	_ =	shalt  }
0x75: {  	_ =	shalt  }
0x76: {  	_ =	shalt  }
0x77: {  	_ =	shalt  }
0x78: {  	_ =	shalt  }
0x79: {  	_ =	shalt  }
0x7a: {  	_ =	shalt  }
0x7b: {  	_ =	shalt  }
0x7c: {  	_ =	shalt  }
0x7d: {  	_ =	shalt  }
0x7e: {  	_ =	shalt  }
0x7f: {  	_ =	shalt  }
0x80: {  	_ =	shalt  }
0x81: {  	_ =	shalt  }
0x82: {  	_ =	shalt  }
0x83: {  	_ =	shalt  }
0x84: {  	_ =	shalt  }
0x85: {  	_ =	shalt  }
0x86: {  	_ =	shalt  }
0x87: {  	_ =	shalt  }
.Lfunc_end0:
.L_simem_size_0:
called_computation_lowered:
.L_overlay_start_0:
0x88: {  	s2 =	sld [smem:$0x3FD9]  }
0x89: {  	s3 =	sld [smem:$0x3FFE];
	_ =	sdelay $0x1  }
0x8a: {  	s1 =	srdreg.scid  }
0x8b: {  	s0 =	sand.u32 $0x1, s1  }
0x8c: {  	s17 =	sshll.u32 s0, $0xA;
	s2 =	sadd.s32 s3, s2  }
0x8d: {  	s2 =	sadd.s32 s2, s17  }
0x8e: {  	[smem:$0x3FBB] =	sst s2  }
0x8f: {  	_ = 	snop  }
0x90: {  	(tm) =	ssettm $0x1  }
0x91: {  	s18 =	sld [smem:$0x3FFB];
	_ =	sdelay $0x3  }
0x92: {  	_ =	strace s18  }
0x93: {  	s2 =	sld [smem:$0x3FFC];
	_ =	sdelay $0x3  }
0x94: {  	_ =	strace s2  }
0x95: {  	s2 =	sld [smem:$0x3FFD];
	_ =	sdelay $0x3  }
0x96: {  	_ =	strace s2  }
0x97: {  	_ =	strace $0x8FFFFFFF  }
0x98: {  	s19 =	sld [smem:$0x3FDB];
	_ =	sdelay $0x1  }
0x99: {  	s20 =	simm.s32 $_scs_section_size  }
0x9a: {  	s4 =	simm.s32 $_size__tile_overlayer_lowered;
	s5 =	simm.s32 $_tile_overlayer_lowered  }
0x9b: {  	s6 =	simm.s32 $0x1BFF;
	s21 =	sshll.u32 s5, $0x1;
	s3 =	sadd.s32 s20, s19  }
0x9c: {  	s22 =	simm.s32 $0x0;
	s4 =	sshll.u32 s4, $0x1;
	s5 =	sadd.s32 s21, s3  }
0x9d: {  	[timem:s22], [sflag:s6] =	dma.local [hbm:s5], s4  }
0x9e: {  	_ =	swait.ge [sflag:s6], s4  }
0x9f: {  	s4 =	ssub.s32 $0x0, s4;
	[sflag:s6] =	ssyncset.done $0x0  }
0xa0: {  	[sflag:s6] =	ssyncadd.s32 s4;
	_ =	sdelay $0x1  }
0xa1: {  	s23 =	simm.s32 $0x1B8B  }
0xa2: {  	_ =	swait.ge [sflag:s23], $0x1  }
0xa3: {  	[sflag:s23] =	ssyncset.done $0x0  }
0xa4: {  	[sflag:s23] =	ssyncadd.s32 $0xFFFFFFFF  }
0xa5: {  	s4 =	sld [smem:$0x0]  }
0xa6: {  	s5 =	sand.u32 $0xFFFFFFFE, s1  }
0xa7: {  	p0 =	sne.s32 s1, s5  }
0xa8: {  	s5 =	sshll.u32 @p0 s5, $0xE  }
0xa9: {  	s5 =	sadd.s32 @p0 $0x11B8D, s5;
	s6 =	sshll.u32 @p0 s4, $0x11  }
0xaa: {  	s5 =	sor.u32 @p0 s6, s5  }
0xab: {  	[sflag:s5] =	ssyncadd.remote.s32 @p0 $0x1;
	_ =	sdelay $0x1  }
0xac: {  	s5 =	simm.s32 @p0 $0x1B8D  }
0xad: {  	_ =	swait.eq @p0 [sflag:s5], $0x1  }
0xae: {  	[sflag:s5] =	ssyncadd.s32 @p0 $0xFFFFFFFF  }
0xaf: {  	s6 =	sshll.u32 @!p0 s1, $0xE  }
0xb0: {  	s6 =	sor.u32 @!p0 $0x4000, s6;
	s5 =	simm.s32 @!p0 $0x1B8D  }
0xb1: {  	s4 =	sshll.u32 @!p0 s4, $0x11;
	s6 =	sadd.s32 @!p0 $0x11B8D, s6;
	_ =	swait.eq @!p0 [sflag:s5], $0x1  }
0xb2: {  	s4 =	sor.u32 @!p0 s4, s6;
	[sflag:s5] =	ssyncadd.s32 @!p0 $0xFFFFFFFF  }
0xb3: {  	s25 =	simm.s32 $0x1B8E;
	s24 =	sld [smem:$0x3FFE];
	[sflag:s4] =	ssyncadd.remote.s32 @!p0 $0x1  }
0xb4: {  	s26 =	simm.s32 $execute0_lowered;
	[smem:$0x3FD2] =	sst s25  }
0xb5: {  	s5 =	sshll.u32 s26, $0x1;
	_ =	strace $0x80000049;
	[dreg:$0x1] =	wrdreg $0xFFFFFFFF  }
0xb6: {  	s28 =	simm.s32 $_size_execute0_lowered;
	s3 =	sadd.s32 s3, s5;
	[dreg:$0x0] =	wrdreg $0x0  }
0xb7: {  	s5 =	sshll.u32 s28, $0x1;
	[dreg:$0x2] =	wrdreg s3  }
0xb8: {  	[dreg:$0x3] =	wrdreg s5  }
0xb9: {  	[dreg:$0x4] =	wrdreg $0xC0  }
0xba: {  	_ =	task [dreg:s22], $0x5FFFF  }
0xbb: {  	[dreg:$0x1] =	wrdreg $0xFFFFFFFF  }
0xbc: {  	[dreg:$0x0] =	wrdreg $0x60  }
0xbd: {  	[dreg:$0x2] =	wrdreg s24  }
0xbe: {  	[dreg:$0x3] =	wrdreg $0x4D000  }
0xbf: {  	[dreg:$0x4] =	wrdreg $0x9  }
0xc0: {  	_ =	task.clear_ibuf [dreg:s22], $0x5FFFF;
	_ =	strace $0x90000049  }
0xc1: {  	s29 =	simm.s32 $0x9;
	_ =	strace $0x8000004B  }
0xc2: {  	_ =	swait.ge [sflag:s29], $0x1  }
0xc3: {  	[sflag:s29] =	ssyncadd.s32 $0xFFFFFFFF  }
0xc4: {  	_ =	strace $0x9000004B  }
0xc5: {  	_ =	sfence  }
0xc6: {  	s30 =	sld [smem:$0x0];
	_ =	sdelay $0x2  }
0xc7: {  	s31 =	sshll.u32 s1, $0xD;
	s1 =	sshrl.u32 s1, $0x2  }
0xc8: {  	s4 =	sand.u32 $0x4000, s31;
	s1 =	sadd.s32 s1, s30  }
0xc9: {  	s0 =	sor.u32 s4, s0;
	s1 =	sshll.u32 s1, $0x11  }
0xca: {  	s0 =	sor.u32 s1, s0  }
0xcb: {  	s0 =	sadd.s32 $0x8F2B, s0  }
0xcc: {  	[sflag:s0] =	ssyncadd.remote.s32 $0x1  }
0xcd: {  	_ =	sfence.sel $0xFFFF  }
0xce: {  	[dreg:$0x0] =	wrdreg $0xFFFFFFFF;
	(pc) =	sbr.abs _section_cstart, $3  }
0xcf: {  	[dreg:$0x1] =	wrdreg $0xFFFFFFFF  }
0xd0: {  	_ =	task.clear_ibuf [dreg:s22], $0x2FFFF;
	_ =	strace $0x9FFFFFFF  }
0xd1: {  	(tm) =	ssettm $0x7FFFFFFF  }
tec
execute0_lowered:
.L_overlay_start_1:
0x0: {  	(tag) =	ssettag $0x1  }
0x1: {  	s1 =	srdreg.scid  }
0x2: {  	s0 =	stileid.u32;
	s5 =	rddreg [dreg:$0x0]  }
0x3: {  	s2 =	rddreg [dreg:$0x1];
	s4 =	smul.u32 $0x2730, s0  }
0x4: {  	s3 =	simm.s32 $0x0;
	s12 =	simm.s32 $0x100;
	s26 =	smul.u32 $0x2800, s0  }
0x5: {  	s6 =	sand.u32 $0x1, s1;
	s1 =	rddreg [dreg:$0x2];
	s10 =	smul.u32 $0x50000, s0  }
0x6: {  	s13 =	simm.s32 $0x0;
	[smem:$0x7FF] =	sst s3;
	s7 =	smul.u32 $0x1398, s6  }
0x7: {  	s31 =	sshll.u32 s0, $0x6;
	s8 =	smul.u32 $0x28000, s6;
	s6 =	ssub.s32 $0x2, s6  }
0x8: {  	_ =	strace $0x8000004A;
	s28 =	sshrl.u32 s6, $0x1;
	s29 =	sshrl.u32 s10, $0x2  }
0x9: {  	s10 =	simm.s32 $0x1;
	s4 =	sadd.s32 s7, s4;
	s7 =	sadd.s32 s26, s8  }
0xa: {  	s30 =	ssub.s32 s6, s28;
	s11 =	sadd.s32 s29, s2;
	s4 =	sshrl.u32 s4, $0x3  }
0xb: {  	s7 =	sadd.s32 s7, s5;
	s9 =	sadd.s32 s4, s5;
	s4 =	sadd.s32 $0x31FA00, s5  }
0xc: {  	s5 =	sor.u32 $0x1C01, s31;
	s6 =	sadd.s32 $0x372200, s7;
	s7 =	smax.u32 s30, $0x1  }
0xd: {  	v0 =	vimm.f32 $1.000000000e+00;
	s8 =	sadd.s32 $0x1800, s9;
	s9 =	sshrl.u32 s11, $0x3;
	s11 =	simm.s32 $0x98  }
.LBB2_1:
0xe: {  	[spmem:s9], [sflag:s5] =	dma.local [hbm:s4], $0x2800  }
0xf: {  	_ =	swait.ge [sflag:s10], $0x2800  }
0x10: {  	[sflag:s10] =	ssyncset.done $0x0  }
0x11: {  	s14 =	simm.s32 $0x0;
	s15 =	simm.s32 $0x200;
	[sflag:s10] =	ssyncadd.s32 $0xFFFFD800  }
.LBB2_2:
0x12: {  	p0 =	sne.s32 s15, $0x12E00;
	[tilespmem:s14+$0x170] =	vst v0  }
0x13: {  	[tilespmem:s14+$0x100] =	vst v0  }
0x14: {  	[tilespmem:s14+$0x110] =	vst v0  }
.Ltmp0:
0x15: {  	[tilespmem:s14+$0x120] =	vst v0;
	(pc) =	sbr.rel @p0 .LBB2_2-.Ltmp0, $4  }
0x16: {  	[tilespmem:s14+$0x130] =	vst v0  }
0x17: {  	[tilespmem:s14+$0x140] =	vst v0  }
0x18: {  	[tilespmem:s14+$0x150] =	vst v0  }
0x19: {  	[tilespmem:s14+$0x160] =	vst v0;
	s14 =	sshra.s32 s15, $0x2;
	s15 =	sadd.s32 $0x200, s15  }
0x1a: {  	[tilespmem:s14+$0x170] =	vst v0  }
0x1b: {  	[tilespmem:s14+$0x100] =	vst v0  }
0x1c: {  	[tilespmem:s14+$0x110] =	vst v0  }
0x1d: {  	[tilespmem:s14+$0x120] =	vst v0  }
0x1e: {  	[tilespmem:s14+$0x130] =	vst v0  }
0x1f: {  	[tilespmem:s14+$0x140] =	vst v0  }
0x20: {  	[tilespmem:s14+$0x150] =	vst v0  }
0x21: {  	[tilespmem:s14+$0x160] =	vst v0  }
0x22: {  	s31 =	sadd.s32 $0x0, s8;
	[bflag:$0x0] =	sbarrier.arrive $0xFFFF  }
0x23: {  	[tilespmem:s3], [sflag:$0x1] =	stream.linear.gather [hbm4b:s31+s3], $0x98, $0x38;
	[tilespmem:$0x18D00] =	vst v63  }
0x24: {  	_ =	swait.ge [sflag:s10], $0x98  }
0x25: {  	[sflag:s10] =	ssyncset.done $0x0  }
0x26: {  	[sflag:s10] =	ssyncadd.s32 $0xFFFFFF68  }
0x27: {  	[spmem:s2] =	stream.indirect.scatter.add.f32 [tilespmem:s12], [sflag:$0x1], $0x80, s3, s11, $0xb8;
	[tilespmem:$0x18D00] =	vst v63  }
0x28: {  	_ =	swait.ge [sflag:s10], $0x4C00  }
0x29: {  	s14 =	simm.s32 $0x13;
	s15 =	simm.s32 $0x26;
	[sflag:s10] =	ssyncset.done $0x0  }
.LBB2_4:
0x2a: {  	s16 =	sadd.s32 s14, s8  }
0x2b: {  	[sflag:s10] =	ssyncadd.s32 $0xFFFFB400;
	s14 =	smov.u32 s15;
	s17 =	sadd.s32 $0x13, s15  }
0x2c: {  	[tilespmem:s3], [sflag:$0x1] =	stream.linear.gather [hbm4b:s16+s3], $0x98, $0x38;
	[tilespmem:$0x18D00] =	vst v63  }
0x2d: {  	p0 =	sne.s32 s15, $0x260;
	_ =	swait.ge [sflag:s10], $0x98  }
.Ltmp1:
0x2e: {  	[sflag:s10] =	ssyncset.done $0x0;
	(pc) =	sbr.rel @p0 .LBB2_4-.Ltmp1, $4  }
0x2f: {  	[sflag:s10] =	ssyncadd.s32 $0xFFFFFF68  }
0x30: {  	[spmem:s2] =	stream.indirect.scatter.add.f32 [tilespmem:s12], [sflag:$0x1], $0x80, s3, s11, $0xb8;
	[tilespmem:$0x18D00] =	vst v63  }
0x31: {  	_ =	swait.ge [sflag:s10], $0x4C00  }
0x32: {  	s15 =	smov.u32 s17;
	[sflag:s10] =	ssyncset.done $0x0  }
0x33: {  	s14 =	sadd.s32 s14, s8;
	[sflag:s10] =	ssyncadd.s32 $0xFFFFB400  }
0x34: {  	[tilespmem:s3], [sflag:$0x1] =	stream.linear.gather [hbm4b:s14+s3], $0x98, $0x38;
	[tilespmem:$0x18D00] =	vst v63  }
0x35: {  	_ =	swait.ge [sflag:s10], $0x98  }
0x36: {  	[sflag:s10] =	ssyncset.done $0x0  }
0x37: {  	[sflag:s10] =	ssyncadd.s32 $0xFFFFFF68  }
0x38: {  	[spmem:s2] =	stream.indirect.scatter.add.f32 [tilespmem:s12], [sflag:$0x1], $0x80, s3, s11, $0xb8;
	[tilespmem:$0x18D00] =	vst v63  }
0x39: {  	_ =	swait.ge [sflag:s10], $0x4C00  }
0x3a: {  	s13 =	sadd.s32 $0x1, s13;
	[sflag:s10] =	ssyncset.done $0x0  }
0x3b: {  	p0 =	sne.s32 s13, s7;
	[sflag:s10] =	ssyncadd.s32 $0xFFFFB400  }
.Ltmp2:
0x3c: {  	[bflag:$0x0] =	sbarrier.arrive $0xFFFF;
	(pc) =	sbr.rel @p0 .LBB2_1-.Ltmp2, $4  }
0x3d: {  	[hbm:s6], [sflag:s5] =	dma.local [spmem:s9], $0x2800  }
0x3e: {  	_ =	swait.ge [sflag:s10], $0x2800  }
0x3f: {  	[sflag:s10] =	ssyncset.done $0x0  }
0x40: {  	[sflag:s10] =	ssyncadd.s32 $0xFFFFD800  }
0x41: {  	_ =	sfence.sel $0x180000  }
0x42: {  	[bflag:$0x0] =	sbarrier.arrive $0xFFFF  }
0x43: {  	p0 =	sne.s32 s0, $0x0;
	_ =	strace $0x9000004A  }
0x44: {  	s0 =	sadd.s32 @!p0 $0x100000, s1;
	[bflag:$0x2] =	sbarrier.arrive $0xFFFF  }
0x45: {  	[sflag:s0] =	ssyncadd.tile.s32 @!p0 $0x1;
	_ =	shalt  }
.Lfunc_end2:
_tile_overlayer_lowered:
.L_overlay_start_2:
0x46: {  	(tag) =	ssettag $0x2  }
0x47: {  	s0 =	rddreg [dreg:$0x0];
	s2 =	stileid.u32  }
0x48: {  	s1 =	rddreg [dreg:$0x1];
	p0 =	sne.s32 s2, $0x0  }
0x49: {  	s3 =	rddreg [dreg:$0x2];
	[bflag:$0x3] =	sbarrier.arrive $0xFFFF;
	s2 =	simm.s32 @!p0 $0x1C01  }
0x4a: {  	[timem:s3], [sflag:s2] =	dma.local @!p0 [hbm:s0], s1  }
0x4b: {  	s0 =	simm.s32 @!p0 $0x1  }
0x4c: {  	_ =	swait.ge @!p0 [sflag:s0], s1  }
0x4d: {  	s1 =	ssub.s32 @!p0 $0x0, s1;
	[sflag:s0] =	ssyncset.done @!p0 $0x0  }
0x4e: {  	[sflag:s0] =	ssyncadd.s32 @!p0 s1  }
0x4f: {  	[bflag:$0x3] =	sbarrier.arrive $0xFFFF  }
0x50: {  	_ =	shalt  }

// kernel: kernel.9.cloned.1.call-start
scs
__scs_entry_jumppad:
0x0: {  	(pc) =	sbr.rel $0x88, $3  }
0x1: {  	(tag) =	ssettag $0x0;
	lr =	simm.s32 $0x1  }
0x2: {  	[smem:$0x3F94] =	sst lr;
	_ =	strace $0xD0000000  }
0x3: {  	_ = 	snop  }
0x4: {  	_ = 	snop  }
0x5: {  	_ = 	snop  }
0x6: {  	_ = 	snop  }
0x7: {  	_ = 	snop  }
__scs_overlays_trampoline_lowered:
0x8: {  	[smem:$0x3FA3] =	sst s0  }
0x9: {  	[smem:$0x3FA4] =	sst s1  }
0xa: {  	[smem:$0x3FA5] =	sst s2  }
0xb: {  	[smem:$0x3FA6] =	sst s3  }
0xc: {  	[smem:$0x3FA7] =	sst s4  }
0xd: {  	[smem:$0x3FA8] =	sst s5  }
0xe: {  	[smem:$0x3FA9] =	sst s6  }
0xf: {  	[smem:$0x3FAA] =	sst s7  }
0x10: {  	[smem:$0x3FAB] =	sst s8  }
0x11: {  	[smem:$0x3FAC] =	sst s9;
	s0 =	simm.s32 @!p0 $0x0  }
0x12: {  	s1 =	sld [smem:$0x3F92];
	s0 =	simm.s32 @p0 $0x1  }
0x13: {  	[smem:$0x3FAD] =	sst s0;
	s0 =	simm.s32 @!p1 $0x0  }
0x14: {  	s2 =	sld [smem:$0x3F91];
	s0 =	simm.s32 @p1 $0x1  }
0x15: {  	[smem:$0x3FAE] =	sst s0;
	s0 =	simm.s32 @!p2 $0x0  }
0x16: {  	s3 =	sld [smem:$0x3FDB];
	s0 =	simm.s32 @p2 $0x1  }
0x17: {  	s4 =	simm.s32 $0x1BF5;
	[smem:$0x3FB0] =	sst s0  }
0x18: {  	s0 =	sld [smem:$0x3F93];
	_ =	swait.ge [sflag:s4], $0x0  }
0x19: {  	s7 =	sld [smem:$0x3F94]  }
0x1a: {  	s8 =	sadd.s32 $0xFFFFE003, lr  }
0x1b: {  	s9 =	sadd.s32 $0xFFFFFEF7, lr;
	s5 =	simm.s32 $0xFFFFFFFF;
	p2 =	slt.u32 s8, $0xFFFFF086  }
0x1c: {  	p1 =	slt.u32 s9, $0xF7A;
	s5 =	simm.s32 @!p2 $0x0  }
0x1d: {  	s5 =	simm.s32 @p1 $0x1;
	p0 =	seq.s32 s7, s2  }
0x1e: {  	s7 =	smul.u32 @!p0 $0xF7A, s2;
	p2 =	seq.s32 @!p0 s5, $0x0  }
0x1f: {  	s9 =	smul.u32 $0xF7A, s1;
	s8 =	simm.s32 @!p0 $0x1BF5;
	p2 =	por !p2, p0  }
0x20: {  	[sflag:s8] =	ssyncset.s32 @!p0 $0xFFFFF086;
	s6 =	sadd.s32 @!p0 s3, s7;
	s7 =	simm.s32 @!p0 $0x108  }
0x21: {  	s3 =	sadd.s32 s3, s9;
	s6 =	sadd.s32 @!p0 $0x88, s6;
	s7 =	simm.s32 @p2 $0x1082  }
0x22: {  	[simem:s7], [sflag:s8] =	dma.local @!p0 [hbm:s6], $0xF7A  }
0x23: {  	s9 =	sor.u32 $0xD0000000, s2;
	s6 =	simm.s32 $0x108;
	_ =	swait.ge @!p0 [sflag:s8], $0x0  }
0x24: {  	s3 =	sadd.s32 $0x88, s3;
	s6 =	simm.s32 @!p1 $0x1082;
	[sflag:s4] =	ssyncset.s32 $0xFFFFF086  }
0x25: {  	[simem:s6], [sflag:s4] =	dma.local [hbm:s3], $0xF7A  }
0x26: {  	[smem:$0x3F94] =	sst s1;
	(tag) =	ssettag s2;
	_ =	strace s9  }
0x27: {  	s1 =	sld [smem:$0x3FA4]  }
0x28: {  	s2 =	sld [smem:$0x3FA5]  }
0x29: {  	s4 =	sld [smem:$0x3FA7]  }
0x2a: {  	p0 =	seq.s32 s5, $0x0;
	s5 =	sld [smem:$0x3FA8]  }
0x2b: {  	s6 =	sld [smem:$0x3FA9]  }
0x2c: {  	s7 =	sld [smem:$0x3FAA]  }
0x2d: {  	s3 =	simm.s32 $0x108;
	s8 =	sld [smem:$0x3FAB]  }
0x2e: {  	s3 =	simm.s32 @!p0 $0x1082;
	s9 =	sld [smem:$0x3FAC]  }
0x2f: {  	lr =	sadd.s32 s0, s3;
	s0 =	sld [smem:$0x3FA3]  }
0x30: {  	s3 =	sld [smem:$0x3FA6]  }
0x31: {  	[smem:$0x3FAF] =	sst s10  }
0x32: {  	s10 =	sld [smem:$0x3FAD];
	_ =	sdelay $0x3  }
0x33: {  	p0 =	seq.s32 s10, $0x1;
	s10 =	sld [smem:$0x3FAF];
	_ =	sdelay $0x3  }
0x34: {  	[smem:$0x3FAF] =	sst s10  }
0x35: {  	s10 =	sld [smem:$0x3FAE];
	_ =	sdelay $0x3  }
0x36: {  	p1 =	seq.s32 s10, $0x1;
	s10 =	sld [smem:$0x3FAF];
	_ =	sdelay $0x3  }
0x37: {  	[smem:$0x3FAF] =	sst s10  }
0x38: {  	s10 =	sld [smem:$0x3FB0]  }
0x39: {  	_ = 	snop;
	(pc) =	sbr.ind lr, $3  }
0x3a: {  	_ = 	snop  }
0x3b: {  	_ = 	snop  }
0x3c: {  	p2 =	seq.s32 s10, $0x1;
	s10 =	sld [smem:$0x3FAF]  }
0x3d: {  	_ =	shalt  }
0x3e: {  	_ =	shalt  }
0x3f: {  	_ =	shalt  }
0x40: {  	_ =	shalt  }
0x41: {  	_ =	shalt  }
0x42: {  	_ =	shalt  }
0x43: {  	_ =	shalt  }
0x44: {  	_ =	shalt  }
0x45: {  	_ =	shalt  }
0x46: {  	_ =	shalt  }
0x47: {  	_ =	shalt  }
0x48: {  	_ =	shalt  }
0x49: {  	_ =	shalt  }
0x4a: {  	_ =	shalt  }
0x4b: {  	_ =	shalt  }
0x4c: {  	_ =	shalt  }
0x4d: {  	_ =	shalt  }
0x4e: {  	_ =	shalt  }
0x4f: {  	_ =	shalt  }
0x50: {  	_ =	shalt  }
0x51: {  	_ =	shalt  }
0x52: {  	_ =	shalt  }
0x53: {  	_ =	shalt  }
0x54: {  	_ =	shalt  }
0x55: {  	_ =	shalt  }
0x56: {  	_ =	shalt  }
0x57: {  	_ =	shalt  }
0x58: {  	_ =	shalt  }
0x59: {  	_ =	shalt  }
0x5a: {  	_ =	shalt  }
0x5b: {  	_ =	shalt  }
0x5c: {  	_ =	shalt  }
0x5d: {  	_ =	shalt  }
0x5e: {  	_ =	shalt  }
0x5f: {  	_ =	shalt  }
0x60: {  	_ =	shalt  }
0x61: {  	_ =	shalt  }
0x62: {  	_ =	shalt  }
0x63: {  	_ =	shalt  }
0x64: {  	_ =	shalt  }
0x65: {  	_ =	shalt  }
0x66: {  	_ =	shalt  }
0x67: {  	_ =	shalt  }
0x68: {  	_ =	shalt  }
0x69: {  	_ =	shalt  }
0x6a: {  	_ =	shalt  }
0x6b: {  	_ =	shalt  }
0x6c: {  	_ =	shalt  }
0x6d: {  	_ =	shalt  }
0x6e: {  	_ =	shalt  }
0x6f: {  	_ =	shalt  }
0x70: {  	_ =	shalt  }
0x71: {  	_ =	shalt  }
0x72: {  	_ =	shalt  }
0x73: {  	_ =	shalt  }
0x74: {  	_ =	shalt  }
0x75: {  	_ =	shalt  }
0x76: {  	_ =	shalt  }
0x77: {  	_ =	shalt  }
0x78: {  	_ =	shalt  }
0x79: {  	_ =	shalt  }
0x7a: {  	_ =	shalt  }
0x7b: {  	_ =	shalt  }
0x7c: {  	_ =	shalt  }
0x7d: {  	_ =	shalt  }
0x7e: {  	_ =	shalt  }
0x7f: {  	_ =	shalt  }
0x80: {  	_ =	shalt  }
0x81: {  	_ =	shalt  }
0x82: {  	_ =	shalt  }
0x83: {  	_ =	shalt  }
0x84: {  	_ =	shalt  }
0x85: {  	_ =	shalt  }
0x86: {  	_ =	shalt  }
0x87: {  	_ =	shalt  }
.Lfunc_end0:
.L_simem_size_0:
called_computation.1_lowered:
.L_overlay_start_0:
0x88: {  	s2 =	sld [smem:$0x3FD9]  }
0x89: {  	s3 =	sld [smem:$0x3FFE];
	_ =	sdelay $0x1  }
0x8a: {  	s1 =	srdreg.scid  }
0x8b: {  	s0 =	sand.u32 $0x1, s1  }
0x8c: {  	s17 =	sshll.u32 s0, $0xA;
	s2 =	sadd.s32 s3, s2  }
0x8d: {  	s2 =	sadd.s32 s2, s17  }
0x8e: {  	[smem:$0x3FBB] =	sst s2  }
0x8f: {  	_ = 	snop  }
0x90: {  	s2 =	sld [smem:$0x3FD0];
	(tm) =	ssettm $0x1  }
0x91: {  	s18 =	sld [smem:$0x3FFB];
	_ =	sdelay $0x3  }
0x92: {  	_ =	strace s18  }
0x93: {  	s3 =	sld [smem:$0x3FFC];
	_ =	sdelay $0x3  }
0x94: {  	_ =	strace s3  }
0x95: {  	s3 =	sld [smem:$0x3FFD];
	_ =	sdelay $0x3  }
0x96: {  	_ =	strace s3  }
0x97: {  	_ =	strace $0x8FFFFFFF  }
0x98: {  	s19 =	sld [smem:$0x3FDB];
	_ =	sdelay $0x1  }
0x99: {  	s4 =	simm.s32 $_scs_section_size  }
0x9a: {  	s5 =	simm.s32 $_size__tile_overlayer_lowered;
	s6 =	simm.s32 $_tile_overlayer_lowered  }
0x9b: {  	s22 =	simm.s32 $0x1BFF;
	s21 =	sshll.u32 s6, $0x1;
	s3 =	sadd.s32 s4, s19  }
0x9c: {  	s7 =	simm.s32 $0x0;
	s20 =	sshll.u32 s5, $0x1;
	s5 =	sadd.s32 s21, s3  }
0x9d: {  	[timem:s7], [sflag:s22] =	dma.local [hbm:s5], s20  }
0x9e: {  	_ =	swait.ge [sflag:s22], s20  }
0x9f: {  	s4 =	ssub.s32 $0x0, s20;
	[sflag:s22] =	ssyncset.done $0x0  }
0xa0: {  	[sflag:s22] =	ssyncadd.s32 s4;
	_ =	sdelay $0x1  }
0xa1: {  	s23 =	simm.s32 $0x1B8B  }
0xa2: {  	_ =	swait.ge [sflag:s23], $0x1  }
0xa3: {  	[sflag:s23] =	ssyncset.done $0x0  }
0xa4: {  	s25 =	simm.s32 $0x1B8E;
	s24 =	sld [smem:$0x3FFE];
	[sflag:s23] =	ssyncadd.s32 $0xFFFFFFFF  }
0xa5: {  	s26 =	simm.s32 $execute0_lowered;
	[smem:$0x3FD2] =	sst s25  }
0xa6: {  	s5 =	sshll.u32 s26, $0x1;
	_ =	strace $0x80000046;
	[dreg:$0x1] =	wrdreg $0xFFFFFFFF  }
0xa7: {  	s28 =	simm.s32 $_size_execute0_lowered;
	s3 =	sadd.s32 s3, s5;
	[dreg:$0x0] =	wrdreg $0x0  }
0xa8: {  	s5 =	sshll.u32 s28, $0x1;
	[dreg:$0x2] =	wrdreg s3  }
0xa9: {  	[dreg:$0x3] =	wrdreg s5  }
0xaa: {  	[dreg:$0x4] =	wrdreg $0xC0  }
0xab: {  	_ =	task [dreg:s7], $0x5FFFF  }
0xac: {  	[dreg:$0x1] =	wrdreg $0xFFFFFFFF  }
0xad: {  	[dreg:$0x0] =	wrdreg $0x60  }
0xae: {  	[dreg:$0x2] =	wrdreg s2  }
0xaf: {  	[dreg:$0x3] =	wrdreg s24  }
0xb0: {  	[dreg:$0x4] =	wrdreg $0x93800  }
0xb1: {  	[dreg:$0x5] =	wrdreg $0xA  }
0xb2: {  	_ =	task.clear_ibuf [dreg:s7], $0x6FFFF;
	_ =	strace $0x90000046  }
0xb3: {  	s29 =	simm.s32 $0xA;
	_ =	strace $0x80000048  }
0xb4: {  	_ =	swait.ge [sflag:s29], $0x1  }
0xb5: {  	[sflag:s29] =	ssyncadd.s32 $0xFFFFFFFF  }
0xb6: {  	_ =	strace $0x90000048  }
0xb7: {  	_ =	sfence  }
0xb8: {  	s30 =	sld [smem:$0x0];
	_ =	sdelay $0x2  }
0xb9: {  	s31 =	sshll.u32 s1, $0xD;
	s1 =	sshrl.u32 s1, $0x2  }
0xba: {  	s3 =	sand.u32 $0x4000, s31;
	s1 =	sadd.s32 s1, s30  }
0xbb: {  	s0 =	sor.u32 s3, s0;
	s1 =	sshll.u32 s1, $0x11  }
0xbc: {  	s0 =	sor.u32 s1, s0  }
0xbd: {  	s0 =	sadd.s32 $0x8F2B, s0  }
0xbe: {  	[sflag:s0] =	ssyncadd.remote.s32 $0x1  }
0xbf: {  	_ =	sfence.sel $0xFFFF  }
0xc0: {  	[dreg:$0x0] =	wrdreg $0xFFFFFFFF;
	(pc) =	sbr.abs _section_cstart, $3  }
0xc1: {  	[dreg:$0x1] =	wrdreg $0xFFFFFFFF  }
0xc2: {  	_ =	task.clear_ibuf [dreg:s7], $0x2FFFF;
	_ =	strace $0x9FFFFFFF  }
0xc3: {  	(tm) =	ssettm $0x7FFFFFFF  }
tec
execute0_lowered:
.L_overlay_start_1:
0x0: {  	(tag) =	ssettag $0x1  }
0x1: {  	s1 =	rddreg [dreg:$0x0]  }
0x2: {  	s0 =	rddreg [dreg:$0x1]  }
0x3: {  	s2 =	rddreg [dreg:$0x2];
	s4 =	simm.s32 $0x0;
	s3 =	srdreg.scid  }
0x4: {  	s15 =	stileid.u32;
	s28 =	simm.s32 $0x1;
	s29 =	simm.s32 $0x30  }
0x5: {  	s30 =	simm.s32 $0x1980;
	s31 =	simm.s32 $0x0;
	[smem:$0x7FF] =	sst s4  }
0x6: {  	s5 =	sadd.s32 $0x6800, s0;
	s3 =	sand.u32 $0x1, s3;
	s9 =	smul.u32 $0x2800, s15  }
0x7: {  	s6 =	sadd.s32 $0x1800, s0;
	s7 =	sadd.s32 $0xACA00, s0;
	s16 =	smul.u32 $0x50000, s15  }
0x8: {  	s8 =	sadd.s32 $0x10600, s0;
	s14 =	sadd.s32 $0x31FA00, s0;
	s18 =	smul.u32 $0x2730, s15  }
0x9: {  	s19 =	sshll.u32 s15, $0x6;
	s22 =	smul.u32 $0x27300, s15;
	s15 =	simm.s32 $0x6300  }
0xa: {  	_ =	strace $0x80000047;
	s10 =	sshll.u32 s3, $0x4;
	s11 =	smul.u32 $0x28000, s3  }
0xb: {  	[dreg:$0x4] =	wrdreg s14;
	s17 =	ssub.s32 $0x2, s3;
	s12 =	sadd.s32 s10, s0  }
0xc: {  	s13 =	sshrl.u32 s17, $0x1;
	s14 =	sshrl.u32 s16, $0x2;
	s10 =	smul.u32 $0x27300, s3  }
0xd: {  	s16 =	sor.u32 $0x1C07, s19;
	s21 =	sshrl.u32 s18, $0x3;
	s25 =	sadd.s32 s7, s22  }
0xe: {  	s22 =	simm.s32 $0x7;
	s3 =	simm.s32 $0x4A00;
	s19 =	simm.s32 $0x5  }
0xf: {  	s9 =	sadd.s32 s9, s11;
	s26 =	ssub.s32 s17, s13;
	s12 =	sadd.s32 $0x1600, s12  }
0x10: {  	s24 =	sadd.s32 s6, s21;
	[dreg:$0xa] =	wrdreg s25;
	s17 =	sadd.s32 $0x30, s18  }
0x11: {  	s25 =	simm.s32 $0x100;
	s13 =	simm.s32 $0x3;
	[dreg:$0x5] =	wrdreg s16  }
0x12: {  	s21 =	simm.s32 $0x0;
	s0 =	sadd.s32 s9, s0;
	[dreg:$0x6] =	wrdreg s12  }
0x13: {  	s9 =	sadd.s32 s14, s2;
	s20 =	sadd.s32 s18, s10;
	[dreg:$0x9] =	wrdreg s24  }
0x14: {  	s18 =	sadd.s32 $0x60, s18;
	s26 =	smax.u32 s26, $0x1;
	s24 =	simm.s32 $0x80  }
0x15: {  	s14 =	simm.s32 $0x4;
	s0 =	sadd.s32 $0x322200, s0;
	[dreg:$0xc] =	wrdreg s26  }
0x16: {  	s12 =	sshrl.u32 s20, $0x3;
	s11 =	sshrl.u32 s9, $0x3;
	[dreg:$0xb] =	wrdreg s0  }
0x17: {  	s20 =	simm.s32 $0x6;
	s23 =	sadd.s32 s1, s12;
	[dreg:$0xd] =	wrdreg s11  }
0x18: {  	s12 =	sadd.s32 s5, s12;
	s0 =	simm.s32 $0x4980;
	[dreg:$0x7] =	wrdreg s23  }
0x19: {  	[dreg:$0x8] =	wrdreg s12;
	s23 =	simm.s32 $0x4A80;
	s12 =	simm.s32 $0x2  }
.LBB2_1:
0x1a: {  	[dreg:$0xe] =	wrdreg s21  }
0x1b: {  	s9 =	rddreg [dreg:$0x4]  }
0x1c: {  	[spmem:s11], [sflag:s16] =	dma.local [hbm:s9], $0x2800  }
0x1d: {  	_ =	swait.ge [sflag:s22], $0x2800  }
0x1e: {  	[sflag:s22] =	ssyncset.done $0x0  }
0x1f: {  	s16 =	simm.s32 $0x9300;
	s11 =	rddreg [dreg:$0x6];
	[sflag:s22] =	ssyncadd.s32 $0xFFFFD800  }
0x20: {  	[tilespmem:s16], [sflag:$0x7] =	stream.linear.gather [hbm4b:s11+s4], $0x80, $0x38;
	[tilespmem:$0x1D380] =	vst v63  }
0x21: {  	_ =	swait.ge [sflag:s22], $0x80  }
0x22: {  	[sflag:s22] =	ssyncset.done $0x0  }
0x23: {  	[sflag:s22] =	ssyncadd.s32 $0xFFFFFF80  }
0x24: {  	v1 =	vld [tilespmem:$0x9300]  }
0x25: {  	v2 =	vld [tilespmem:$0x9310]  }
0x26: {  	v3 =	vld [tilespmem:$0x9320]  }
0x27: {  	v5 =	vld [tilespmem:$0x9330]  }
0x28: {  	v6 =	vld [tilespmem:$0x9340]  }
0x29: {  	v7 =	vld [tilespmem:$0x9350]  }
0x2a: {  	v4 =	vld [tilespmem:$0x9360]  }
0x2b: {  	v0 =	vld [tilespmem:$0x9370];
	[bflag:$0x0] =	sbarrier.arrive $0xFFFF  }
0x2c: {  	s21 =	rddreg [dreg:$0x7]  }
0x2d: {  	[tilespmem:s4], [sflag:$0x1] =	stream.linear.gather [hbm4b:s21+s4], $0x30, $0x38;
	[tilespmem:$0x1D380] =	vst v63  }
0x2e: {  	s26 =	rddreg [dreg:$0x8]  }
0x2f: {  	[tilespmem:s24], [sflag:$0x1] =	stream.linear.gather [hbm4b:s26+s4], $0x30, $0x38;
	[tilespmem:$0x1D380] =	vst v63  }
0x30: {  	s11 =	rddreg [dreg:$0x9]  }
0x31: {  	[tilespmem:s25], [sflag:$0x1] =	stream.linear.gather [hbm4b:s11+s4], $0x30, $0x38;
	[tilespmem:$0x1D380] =	vst v63  }
0x32: {  	s16 =	rddreg [dreg:$0xa];
	s21 =	simm.s32 $0x180  }
0x33: {  	[tilespmem:s21], [sflag:$0x1] =	stream.linear.gather [hbm4b:s16+s4], $0x1800, $0x38;
	[tilespmem:$0x1D380] =	vst v63  }
0x34: {  	_ =	swait.ge [sflag:s28], $0x30  }
0x35: {  	[sflag:s28] =	ssyncset.done $0x0  }
0x36: {  	[sflag:s28] =	ssyncadd.s32 $0xFFFFFFD0  }
0x37: {  	_ =	swait.ge [sflag:s28], $0x30  }
0x38: {  	[sflag:s28] =	ssyncset.done $0x0  }
0x39: {  	[sflag:s28] =	ssyncadd.s32 $0xFFFFFFD0  }
0x3a: {  	_ =	swait.ge [sflag:s28], $0x30  }
0x3b: {  	[sflag:s28] =	ssyncset.done $0x0  }
0x3c: {  	[sflag:s28] =	ssyncadd.s32 $0xFFFFFFD0  }
0x3d: {  	_ =	swait.ge [sflag:s28], $0x1800  }
0x3e: {  	[sflag:s28] =	ssyncset.done $0x0  }
0x3f: {  	[sflag:s28] =	ssyncadd.s32 $0xFFFFE800  }
0x40: {  	[tilespmem:s30], [sflag:$0x2] =	stream.indirect.gather [hbm4b:s8+s29], $0x80, s4, s29, $0xb8;
	[tilespmem:$0x1D380] =	vst v63  }
0x41: {  	s26 =	simm.s32 $0x3180;
	s21 =	simm.s32 $0x0  }
0x42: {  	[tilespmem:s26], [sflag:$0x3] =	stream.indirect.gather [hbm4b:s8+s29], $0x80, s24, s29, $0xb8;
	[tilespmem:$0x1D380] =	vst v63  }
.LBB2_2:
0x43: {  	s11 =	smul.u32 $0x60, s21;
	_ =	sdelay $0x1  }
0x44: {  	s9 =	sadd.s32 s11, s17  }
0x45: {  	s16 =	sadd.s32 s10, s9  }
0x46: {  	s16 =	sshrl.u32 s16, $0x3  }
0x47: {  	s26 =	sadd.s32 s1, s16  }
0x48: {  	[tilespmem:s0], [sflag:$0x4] =	stream.linear.gather [hbm4b:s26+s31], $0x30, $0x38;
	[tilespmem:$0x1D380] =	vst v63  }
0x49: {  	s16 =	sadd.s32 s5, s16;
	s26 =	sshrl.u32 s9, $0x3  }
0x4a: {  	[tilespmem:s3], [sflag:$0x4] =	stream.linear.gather [hbm4b:s16+s31], $0x30, $0x38;
	[tilespmem:$0x1D380] =	vst v63  }
0x4b: {  	s9 =	sshll.u32 s9, $0x4;
	s16 =	sadd.s32 s6, s26  }
0x4c: {  	[tilespmem:s23], [sflag:$0x4] =	stream.linear.gather [hbm4b:s16+s31], $0x30, $0x38;
	[tilespmem:$0x1D380] =	vst v63  }
0x4d: {  	s9 =	sadd.s32 s7, s9;
	s26 =	simm.s32 $0x4B00  }
0x4e: {  	[tilespmem:s26], [sflag:$0x4] =	stream.linear.gather [hbm4b:s9+s31], $0x1800, $0x38;
	[tilespmem:$0x1D380] =	vst v63  }
0x4f: {  	_ =	swait.ge [sflag:s12], $0x1800  }
0x50: {  	[sflag:s12] =	ssyncset.done $0x0  }
0x51: {  	[sflag:s12] =	ssyncadd.s32 $0xFFFFE800  }
0x52: {  	_ =	swait.ge [sflag:s13], $0x1800  }
0x53: {  	[sflag:s13] =	ssyncset.done $0x0  }
0x54: {  	s9 =	simm.s32 $0x0;
	[sflag:s13] =	ssyncadd.s32 $0xFFFFE800  }
0x55: {  	v8 =	vld [tilespmem:s9+$0x180]  }
0x56: {  	v15 =	vld [tilespmem:s9+$0x3180]  }
0x57: {  	v16 =	vld [tilespmem:s9+$0x3190]  }
0x58: {  	v14 =	vld [tilespmem:s9+$0x31A0]  }
0x59: {  	v13 =	vld [tilespmem:s9+$0x31B0]  }
0x5a: {  	v12 =	vld [tilespmem:s9+$0x31C0]  }
0x5b: {  	v11 =	vld [tilespmem:s9+$0x31D0]  }
0x5c: {  	v10 =	vld [tilespmem:s9+$0x31E0]  }
0x5d: {  	v9 =	vld [tilespmem:s9+$0x31F0]  }
0x5e: {  	v17 =	vld [tilespmem:s9+$0x1980]  }
0x5f: {  	v27 =	vld [tilespmem:s9+$0x1990]  }
0x60: {  	v23 =	vld [tilespmem:s9+$0x19A0]  }
0x61: {  	v21 =	vld [tilespmem:s9+$0x19B0]  }
0x62: {  	v20 =	vld [tilespmem:s9+$0x19C0];
	v25 =	vmul.f32 v8, v1;
	v24 =	vmul.f32 v8, v2  }
0x63: {  	v19 =	vld [tilespmem:s9+$0x19D0];
	v26 =	vadd.f32 v15, v17;
	v22 =	vmul.f32 v8, v3;
	v18 =	vmul.f32 v8, v5  }
0x64: {  	s16 =	simm.s32 $0x200;
	v27 =	vadd.f32 v16, v27;
	v16 =	vmul.f32 v8, v6;
	v15 =	vmul.f32 v8, v7;
	v17 =	vld [tilespmem:s9+$0x19E0]  }
.LBB2_3:
0x65: {  	s26 =	sshra.s32 s16, $0x2;
	p0 =	sne.s32 s16, $0x5E00;
	v25 =	vadd.f32 v26, v25;
	v14 =	vadd.f32 v14, v23;
	v23 =	vmul.f32 v8, v4;
	v26 =	vld [tilespmem:s9+$0x19F0]  }
0x66: {  	v24 =	vadd.f32 v27, v24;
	v13 =	vadd.f32 v13, v21;
	v21 =	vmul.f32 v8, v0;
	v8 =	vld [tilespmem:s26+$0x180]  }
0x67: {  	v27 =	vld [tilespmem:s26+$0x3180];
	v25 =	vmax.f32 v25, $0.0e+00;
	v22 =	vadd.f32 v14, v22;
	v12 =	vadd.f32 v12, v20  }
0x68: {  	v28 =	vld [tilespmem:s26+$0x3190];
	[tilespmem:s9+$0x1980] =	vst v25;
	v20 =	vmax.f32 v24, $0.0e+00;
	v18 =	vadd.f32 v13, v18;
	v11 =	vadd.f32 v11, v19  }
0x69: {  	v14 =	vld [tilespmem:s26+$0x31A0];
	[tilespmem:s9+$0x1990] =	vst v20;
	v19 =	vmax.f32 v22, $0.0e+00;
	v16 =	vadd.f32 v12, v16;
	v10 =	vadd.f32 v10, v17  }
0x6a: {  	v13 =	vld [tilespmem:s26+$0x31B0];
	[tilespmem:s9+$0x19A0] =	vst v19;
	v17 =	vmax.f32 v18, $0.0e+00;
	v15 =	vadd.f32 v11, v15;
	v9 =	vadd.f32 v9, v26  }
0x6b: {  	v12 =	vld [tilespmem:s26+$0x31C0];
	[tilespmem:s9+$0x19B0] =	vst v17;
	v16 =	vmax.f32 v16, $0.0e+00;
	v17 =	vadd.f32 v10, v23  }
0x6c: {  	v11 =	vld [tilespmem:s26+$0x31D0];
	[tilespmem:s9+$0x19C0] =	vst v16;
	v15 =	vmax.f32 v15, $0.0e+00;
	v16 =	vadd.f32 v9, v21  }
0x6d: {  	v10 =	vld [tilespmem:s26+$0x31E0];
	[tilespmem:s9+$0x19D0] =	vst v15;
	v15 =	vmax.f32 v17, $0.0e+00  }
0x6e: {  	v9 =	vld [tilespmem:s26+$0x31F0];
	[tilespmem:s9+$0x19E0] =	vst v15;
	v15 =	vmax.f32 v16, $0.0e+00  }
0x6f: {  	v16 =	vld [tilespmem:s26+$0x1980];
	[tilespmem:s9+$0x19F0] =	vst v15;
	s9 =	smov.u32 s26  }
0x70: {  	v15 =	vld [tilespmem:s9+$0x1990]  }
.Ltmp0:
0x71: {  	v23 =	vld [tilespmem:s9+$0x19A0];
	(pc) =	sbr.rel @p0 .LBB2_3-.Ltmp0, $4  }
0x72: {  	v21 =	vld [tilespmem:s9+$0x19B0]  }
0x73: {  	v25 =	vmul.f32 v8, v1;
	v24 =	vmul.f32 v8, v2;
	v20 =	vld [tilespmem:s9+$0x19C0]  }
0x74: {  	v22 =	vmul.f32 v8, v3;
	v18 =	vmul.f32 v8, v5;
	v26 =	vadd.f32 v27, v16;
	v19 =	vld [tilespmem:s9+$0x19D0]  }
0x75: {  	s16 =	sadd.s32 $0x200, s16;
	v16 =	vmul.f32 v8, v6;
	v27 =	vadd.f32 v28, v15;
	v15 =	vmul.f32 v8, v7;
	v17 =	vld [tilespmem:s9+$0x19E0]  }
0x76: {  	v25 =	vadd.f32 v26, v25;
	v14 =	vadd.f32 v14, v23;
	v23 =	vmul.f32 v8, v4;
	v26 =	vld [tilespmem:s9+$0x19F0]  }
0x77: {  	v8 =	vmul.f32 v8, v0;
	v24 =	vadd.f32 v27, v24;
	v13 =	vadd.f32 v13, v21  }
0x78: {  	v21 =	vmax.f32 v25, $0.0e+00;
	v14 =	vadd.f32 v14, v22;
	v12 =	vadd.f32 v12, v20  }
0x79: {  	[tilespmem:s9+$0x1980] =	vst v21;
	v20 =	vmax.f32 v24, $0.0e+00;
	v13 =	vadd.f32 v13, v18;
	v11 =	vadd.f32 v11, v19  }
0x7a: {  	[tilespmem:s9+$0x1990] =	vst v20;
	v14 =	vmax.f32 v14, $0.0e+00;
	v12 =	vadd.f32 v12, v16;
	v10 =	vadd.f32 v10, v17  }
0x7b: {  	[tilespmem:s9+$0x19A0] =	vst v14;
	v13 =	vmax.f32 v13, $0.0e+00;
	v11 =	vadd.f32 v11, v15;
	v9 =	vadd.f32 v9, v26  }
0x7c: {  	[tilespmem:s9+$0x19B0] =	vst v13;
	v12 =	vmax.f32 v12, $0.0e+00;
	v10 =	vadd.f32 v10, v23  }
0x7d: {  	[tilespmem:s9+$0x19C0] =	vst v12;
	v11 =	vmax.f32 v11, $0.0e+00;
	v8 =	vadd.f32 v9, v8  }
0x7e: {  	[tilespmem:s9+$0x19D0] =	vst v11;
	v9 =	vmax.f32 v10, $0.0e+00  }
0x7f: {  	[tilespmem:s9+$0x19E0] =	vst v9;
	v8 =	vmax.f32 v8, $0.0e+00  }
0x80: {  	[tilespmem:s9+$0x19F0] =	vst v8  }
0x81: {  	[spmem:s2] =	stream.indirect.scatter.add.f32 [tilespmem:s30], [sflag:$0x7], $0x80, s25, s29, $0xb8;
	[tilespmem:$0x1D380] =	vst v63  }
0x82: {  	_ =	swait.ge [sflag:s22], $0x1800  }
0x83: {  	[sflag:s22] =	ssyncset.done $0x0  }
0x84: {  	[sflag:s22] =	ssyncadd.s32 $0xFFFFE800  }
0x85: {  	_ =	swait.ge [sflag:s14], $0x30  }
0x86: {  	[sflag:s14] =	ssyncset.done $0x0  }
0x87: {  	[sflag:s14] =	ssyncadd.s32 $0xFFFFFFD0  }
0x88: {  	_ =	swait.ge [sflag:s14], $0x30  }
0x89: {  	[sflag:s14] =	ssyncset.done $0x0  }
0x8a: {  	[sflag:s14] =	ssyncadd.s32 $0xFFFFFFD0  }
0x8b: {  	_ =	swait.ge [sflag:s14], $0x30  }
0x8c: {  	[sflag:s14] =	ssyncset.done $0x0  }
0x8d: {  	[sflag:s14] =	ssyncadd.s32 $0xFFFFFFD0  }
0x8e: {  	_ =	swait.ge [sflag:s14], $0x1800  }
0x8f: {  	s9 =	sadd.s32 s11, s18;
	[sflag:s14] =	ssyncset.done $0x0  }
0x90: {  	s11 =	sadd.s32 s10, s9;
	[sflag:s14] =	ssyncadd.s32 $0xFFFFE800  }
0x91: {  	[tilespmem:s15], [sflag:$0x5] =	stream.indirect.gather [hbm4b:s8+s29], $0x80, s0, s29, $0xb8;
	[tilespmem:$0x1D380] =	vst v63  }
0x92: {  	s26 =	simm.s32 $0x7B00;
	s11 =	sshrl.u32 s11, $0x3  }
0x93: {  	[tilespmem:s26], [sflag:$0x6] =	stream.indirect.gather [hbm4b:s8+s29], $0x80, s3, s29, $0xb8;
	[tilespmem:$0x1D380] =	vst v63  }
0x94: {  	s16 =	sadd.s32 s1, s11;
	s26 =	simm.s32 $0x0  }
0x95: {  	[tilespmem:s26], [sflag:$0x1] =	stream.linear.gather [hbm4b:s16+s26], $0x30, $0x38;
	[tilespmem:$0x1D380] =	vst v63  }
0x96: {  	s11 =	sadd.s32 s5, s11;
	s16 =	sshrl.u32 s9, $0x3  }
0x97: {  	[tilespmem:s24], [sflag:$0x1] =	stream.linear.gather [hbm4b:s11+s26], $0x30, $0x38;
	[tilespmem:$0x1D380] =	vst v63  }
0x98: {  	s9 =	sshll.u32 s9, $0x4;
	s11 =	sadd.s32 s6, s16  }
0x99: {  	[tilespmem:s25], [sflag:$0x1] =	stream.linear.gather [hbm4b:s11+s26], $0x30, $0x38;
	[tilespmem:$0x1D380] =	vst v63  }
0x9a: {  	s9 =	sadd.s32 s7, s9;
	s16 =	simm.s32 $0x180  }
0x9b: {  	[tilespmem:s16], [sflag:$0x1] =	stream.linear.gather [hbm4b:s9+s26], $0x1800, $0x38;
	[tilespmem:$0x1D380] =	vst v63  }
0x9c: {  	_ =	swait.ge [sflag:s19], $0x1800  }
0x9d: {  	[sflag:s19] =	ssyncset.done $0x0  }
0x9e: {  	[sflag:s19] =	ssyncadd.s32 $0xFFFFE800  }
0x9f: {  	_ =	swait.ge [sflag:s20], $0x1800  }
0xa0: {  	[sflag:s20] =	ssyncset.done $0x0  }
0xa1: {  	s9 =	simm.s32 $0x0;
	[sflag:s20] =	ssyncadd.s32 $0xFFFFE800  }
0xa2: {  	v8 =	vld [tilespmem:s9+$0x4B00]  }
0xa3: {  	v15 =	vld [tilespmem:s9+$0x7B00]  }
0xa4: {  	v16 =	vld [tilespmem:s9+$0x7B10]  }
0xa5: {  	v14 =	vld [tilespmem:s9+$0x7B20]  }
0xa6: {  	v13 =	vld [tilespmem:s9+$0x7B30]  }
0xa7: {  	v12 =	vld [tilespmem:s9+$0x7B40]  }
0xa8: {  	v11 =	vld [tilespmem:s9+$0x7B50]  }
0xa9: {  	v10 =	vld [tilespmem:s9+$0x7B60]  }
0xaa: {  	v9 =	vld [tilespmem:s9+$0x7B70]  }
0xab: {  	v17 =	vld [tilespmem:s9+$0x6300]  }
0xac: {  	v27 =	vld [tilespmem:s9+$0x6310]  }
0xad: {  	v23 =	vld [tilespmem:s9+$0x6320]  }
0xae: {  	v21 =	vld [tilespmem:s9+$0x6330]  }
0xaf: {  	v20 =	vld [tilespmem:s9+$0x6340];
	v25 =	vmul.f32 v8, v1;
	v24 =	vmul.f32 v8, v2  }
0xb0: {  	v19 =	vld [tilespmem:s9+$0x6350];
	v26 =	vadd.f32 v15, v17;
	v22 =	vmul.f32 v8, v3;
	v18 =	vmul.f32 v8, v5  }
0xb1: {  	s11 =	simm.s32 $0x200;
	v27 =	vadd.f32 v16, v27;
	v16 =	vmul.f32 v8, v6;
	v15 =	vmul.f32 v8, v7;
	v17 =	vld [tilespmem:s9+$0x6360]  }
.LBB2_5:
0xb2: {  	s16 =	sshra.s32 s11, $0x2;
	p0 =	sne.s32 s11, $0x5E00;
	v25 =	vadd.f32 v26, v25;
	v14 =	vadd.f32 v14, v23;
	v23 =	vmul.f32 v8, v4;
	v26 =	vld [tilespmem:s9+$0x6370]  }
0xb3: {  	v24 =	vadd.f32 v27, v24;
	v13 =	vadd.f32 v13, v21;
	v21 =	vmul.f32 v8, v0;
	v8 =	vld [tilespmem:s16+$0x4B00]  }
0xb4: {  	v27 =	vld [tilespmem:s16+$0x7B00];
	v25 =	vmax.f32 v25, $0.0e+00;
	v22 =	vadd.f32 v14, v22;
	v12 =	vadd.f32 v12, v20  }
0xb5: {  	v28 =	vld [tilespmem:s16+$0x7B10];
	[tilespmem:s9+$0x6300] =	vst v25;
	v20 =	vmax.f32 v24, $0.0e+00;
	v18 =	vadd.f32 v13, v18;
	v11 =	vadd.f32 v11, v19  }
0xb6: {  	v14 =	vld [tilespmem:s16+$0x7B20];
	[tilespmem:s9+$0x6310] =	vst v20;
	v19 =	vmax.f32 v22, $0.0e+00;
	v16 =	vadd.f32 v12, v16;
	v10 =	vadd.f32 v10, v17  }
0xb7: {  	v13 =	vld [tilespmem:s16+$0x7B30];
	[tilespmem:s9+$0x6320] =	vst v19;
	v17 =	vmax.f32 v18, $0.0e+00;
	v15 =	vadd.f32 v11, v15;
	v9 =	vadd.f32 v9, v26  }
0xb8: {  	v12 =	vld [tilespmem:s16+$0x7B40];
	[tilespmem:s9+$0x6330] =	vst v17;
	v16 =	vmax.f32 v16, $0.0e+00;
	v17 =	vadd.f32 v10, v23  }
0xb9: {  	v11 =	vld [tilespmem:s16+$0x7B50];
	[tilespmem:s9+$0x6340] =	vst v16;
	v15 =	vmax.f32 v15, $0.0e+00;
	v16 =	vadd.f32 v9, v21  }
0xba: {  	v10 =	vld [tilespmem:s16+$0x7B60];
	[tilespmem:s9+$0x6350] =	vst v15;
	v15 =	vmax.f32 v17, $0.0e+00  }
0xbb: {  	v9 =	vld [tilespmem:s16+$0x7B70];
	[tilespmem:s9+$0x6360] =	vst v15;
	v15 =	vmax.f32 v16, $0.0e+00  }
0xbc: {  	v16 =	vld [tilespmem:s16+$0x6300];
	[tilespmem:s9+$0x6370] =	vst v15;
	s9 =	smov.u32 s16  }
0xbd: {  	v15 =	vld [tilespmem:s9+$0x6310]  }
.Ltmp1:
0xbe: {  	v23 =	vld [tilespmem:s9+$0x6320];
	(pc) =	sbr.rel @p0 .LBB2_5-.Ltmp1, $4  }
0xbf: {  	v21 =	vld [tilespmem:s9+$0x6330]  }
0xc0: {  	v25 =	vmul.f32 v8, v1;
	v24 =	vmul.f32 v8, v2;
	v20 =	vld [tilespmem:s9+$0x6340]  }
0xc1: {  	v22 =	vmul.f32 v8, v3;
	v18 =	vmul.f32 v8, v5;
	v26 =	vadd.f32 v27, v16;
	v19 =	vld [tilespmem:s9+$0x6350]  }
0xc2: {  	s11 =	sadd.s32 $0x200, s11;
	v16 =	vmul.f32 v8, v6;
	v27 =	vadd.f32 v28, v15;
	v15 =	vmul.f32 v8, v7;
	v17 =	vld [tilespmem:s9+$0x6360]  }
0xc3: {  	v25 =	vadd.f32 v26, v25;
	v14 =	vadd.f32 v14, v23;
	v59 =	vmul.f32 v8, v4;
	v60 =	vld [tilespmem:s9+$0x6370]  }
0xc4: {  	v8 =	vmul.f32 v8, v0;
	v24 =	vadd.f32 v27, v24;
	v13 =	vadd.f32 v13, v21  }
0xc5: {  	v61 =	vmax.f32 v25, $0.0e+00;
	v14 =	vadd.f32 v14, v22;
	v12 =	vadd.f32 v12, v20  }
0xc6: {  	[tilespmem:s9+$0x6300] =	vst v61;
	v62 =	vmax.f32 v24, $0.0e+00;
	v13 =	vadd.f32 v13, v18;
	v11 =	vadd.f32 v11, v19  }
0xc7: {  	[tilespmem:s9+$0x6310] =	vst v62;
	v14 =	vmax.f32 v14, $0.0e+00;
	v12 =	vadd.f32 v12, v16;
	v10 =	vadd.f32 v10, v17  }
0xc8: {  	[tilespmem:s9+$0x6320] =	vst v14;
	v13 =	vmax.f32 v13, $0.0e+00;
	v11 =	vadd.f32 v11, v15;
	v9 =	vadd.f32 v9, v60  }
0xc9: {  	[tilespmem:s9+$0x6330] =	vst v13;
	v12 =	vmax.f32 v12, $0.0e+00;
	v10 =	vadd.f32 v10, v59  }
0xca: {  	[tilespmem:s9+$0x6340] =	vst v12;
	v11 =	vmax.f32 v11, $0.0e+00;
	v8 =	vadd.f32 v9, v8  }
0xcb: {  	[tilespmem:s9+$0x6350] =	vst v11;
	v63 =	vmax.f32 v10, $0.0e+00  }
0xcc: {  	[tilespmem:s9+$0x6360] =	vst v63;
	v8 =	vmax.f32 v8, $0.0e+00  }
0xcd: {  	[tilespmem:s9+$0x6370] =	vst v8  }
0xce: {  	[spmem:s2] =	stream.indirect.scatter.add.f32 [tilespmem:s15], [sflag:$0x7], $0x80, s23, s29, $0xb8;
	[tilespmem:$0x1D380] =	vst v63  }
0xcf: {  	_ =	swait.ge [sflag:s22], $0x1800  }
0xd0: {  	[sflag:s22] =	ssyncset.done $0x0  }
0xd1: {  	[sflag:s22] =	ssyncadd.s32 $0xFFFFE800  }
0xd2: {  	_ =	swait.ge [sflag:s28], $0x30  }
0xd3: {  	[sflag:s28] =	ssyncset.done $0x0  }
0xd4: {  	[sflag:s28] =	ssyncadd.s32 $0xFFFFFFD0  }
0xd5: {  	_ =	swait.ge [sflag:s28], $0x30  }
0xd6: {  	[sflag:s28] =	ssyncset.done $0x0  }
0xd7: {  	[sflag:s28] =	ssyncadd.s32 $0xFFFFFFD0  }
0xd8: {  	_ =	swait.ge [sflag:s28], $0x30  }
0xd9: {  	[sflag:s28] =	ssyncset.done $0x0  }
0xda: {  	s21 =	sadd.s32 $0x1, s21;
	[sflag:s28] =	ssyncadd.s32 $0xFFFFFFD0  }
0xdb: {  	p0 =	sne.s32 s21, $0x68;
	_ =	swait.ge [sflag:s28], $0x1800  }
.Ltmp2:
0xdc: {  	[sflag:s28] =	ssyncset.done $0x0;
	(pc) =	sbr.rel @p0 .LBB2_2-.Ltmp2, $4  }
0xdd: {  	[sflag:s28] =	ssyncadd.s32 $0xFFFFE800  }
0xde: {  	[tilespmem:s30], [sflag:$0x2] =	stream.indirect.gather [hbm4b:s8+s29], $0x80, s4, s29, $0xb8;
	[tilespmem:$0x1D380] =	vst v63  }
0xdf: {  	s26 =	simm.s32 $0x3180  }
0xe0: {  	[tilespmem:s26], [sflag:$0x3] =	stream.indirect.gather [hbm4b:s8+s29], $0x80, s24, s29, $0xb8;
	[tilespmem:$0x1D380] =	vst v63  }
0xe1: {  	_ =	swait.ge [sflag:s12], $0x1800  }
0xe2: {  	[sflag:s12] =	ssyncset.done $0x0  }
0xe3: {  	[sflag:s12] =	ssyncadd.s32 $0xFFFFE800  }
0xe4: {  	_ =	swait.ge [sflag:s13], $0x1800  }
0xe5: {  	[sflag:s13] =	ssyncset.done $0x0  }
0xe6: {  	s9 =	simm.s32 $0x0;
	[sflag:s13] =	ssyncadd.s32 $0xFFFFE800  }
0xe7: {  	v8 =	vld [tilespmem:s9+$0x180]  }
0xe8: {  	v15 =	vld [tilespmem:s9+$0x3180]  }
0xe9: {  	v16 =	vld [tilespmem:s9+$0x3190]  }
0xea: {  	v14 =	vld [tilespmem:s9+$0x31A0]  }
0xeb: {  	v13 =	vld [tilespmem:s9+$0x31B0]  }
0xec: {  	v12 =	vld [tilespmem:s9+$0x31C0]  }
0xed: {  	v11 =	vld [tilespmem:s9+$0x31D0]  }
0xee: {  	v10 =	vld [tilespmem:s9+$0x31E0]  }
0xef: {  	v9 =	vld [tilespmem:s9+$0x31F0]  }
0xf0: {  	v17 =	vld [tilespmem:s9+$0x1980]  }
0xf1: {  	v27 =	vld [tilespmem:s9+$0x1990]  }
0xf2: {  	v23 =	vld [tilespmem:s9+$0x19A0]  }
0xf3: {  	v21 =	vld [tilespmem:s9+$0x19B0]  }
0xf4: {  	v20 =	vld [tilespmem:s9+$0x19C0];
	v25 =	vmul.f32 v8, v1;
	v24 =	vmul.f32 v8, v2  }
0xf5: {  	v19 =	vld [tilespmem:s9+$0x19D0];
	v26 =	vadd.f32 v15, v17;
	v22 =	vmul.f32 v8, v3;
	v18 =	vmul.f32 v8, v5  }
0xf6: {  	s11 =	simm.s32 $0x200;
	v27 =	vadd.f32 v16, v27;
	v16 =	vmul.f32 v8, v6;
	v15 =	vmul.f32 v8, v7;
	v17 =	vld [tilespmem:s9+$0x19E0]  }
.LBB2_8:
0xf7: {  	s16 =	sshra.s32 s11, $0x2;
	p0 =	sne.s32 s11, $0x5E00;
	v25 =	vadd.f32 v26, v25;
	v14 =	vadd.f32 v14, v23;
	v23 =	vmul.f32 v8, v4;
	v26 =	vld [tilespmem:s9+$0x19F0]  }
0xf8: {  	v24 =	vadd.f32 v27, v24;
	v13 =	vadd.f32 v13, v21;
	v21 =	vmul.f32 v8, v0;
	v8 =	vld [tilespmem:s16+$0x180]  }
0xf9: {  	v27 =	vld [tilespmem:s16+$0x3180];
	v25 =	vmax.f32 v25, $0.0e+00;
	v22 =	vadd.f32 v14, v22;
	v12 =	vadd.f32 v12, v20  }
0xfa: {  	v28 =	vld [tilespmem:s16+$0x3190];
	[tilespmem:s9+$0x1980] =	vst v25;
	v20 =	vmax.f32 v24, $0.0e+00;
	v18 =	vadd.f32 v13, v18;
	v11 =	vadd.f32 v11, v19  }
0xfb: {  	v14 =	vld [tilespmem:s16+$0x31A0];
	[tilespmem:s9+$0x1990] =	vst v20;
	v19 =	vmax.f32 v22, $0.0e+00;
	v16 =	vadd.f32 v12, v16;
	v10 =	vadd.f32 v10, v17  }
0xfc: {  	v13 =	vld [tilespmem:s16+$0x31B0];
	[tilespmem:s9+$0x19A0] =	vst v19;
	v17 =	vmax.f32 v18, $0.0e+00;
	v15 =	vadd.f32 v11, v15;
	v9 =	vadd.f32 v9, v26  }
0xfd: {  	v12 =	vld [tilespmem:s16+$0x31C0];
	[tilespmem:s9+$0x19B0] =	vst v17;
	v16 =	vmax.f32 v16, $0.0e+00;
	v17 =	vadd.f32 v10, v23  }
0xfe: {  	v11 =	vld [tilespmem:s16+$0x31D0];
	[tilespmem:s9+$0x19C0] =	vst v16;
	v15 =	vmax.f32 v15, $0.0e+00;
	v16 =	vadd.f32 v9, v21  }
0xff: {  	v10 =	vld [tilespmem:s16+$0x31E0];
	[tilespmem:s9+$0x19D0] =	vst v15;
	v15 =	vmax.f32 v17, $0.0e+00  }
0x100: {  	v9 =	vld [tilespmem:s16+$0x31F0];
	[tilespmem:s9+$0x19E0] =	vst v15;
	v15 =	vmax.f32 v16, $0.0e+00  }
0x101: {  	v16 =	vld [tilespmem:s16+$0x1980];
	[tilespmem:s9+$0x19F0] =	vst v15;
	s9 =	smov.u32 s16  }
0x102: {  	v15 =	vld [tilespmem:s9+$0x1990]  }
.Ltmp3:
0x103: {  	v23 =	vld [tilespmem:s9+$0x19A0];
	(pc) =	sbr.rel @p0 .LBB2_8-.Ltmp3, $4  }
0x104: {  	v21 =	vld [tilespmem:s9+$0x19B0]  }
0x105: {  	v25 =	vmul.f32 v8, v1;
	v24 =	vmul.f32 v8, v2;
	v20 =	vld [tilespmem:s9+$0x19C0]  }
0x106: {  	v22 =	vmul.f32 v8, v3;
	v18 =	vmul.f32 v8, v5;
	v26 =	vadd.f32 v27, v16;
	v19 =	vld [tilespmem:s9+$0x19D0]  }
0x107: {  	s11 =	sadd.s32 $0x200, s11;
	v16 =	vmul.f32 v8, v6;
	v27 =	vadd.f32 v28, v15;
	v15 =	vmul.f32 v8, v7;
	v17 =	vld [tilespmem:s9+$0x19E0]  }
0x108: {  	v1 =	vadd.f32 v26, v25;
	v2 =	vadd.f32 v14, v23;
	v3 =	vmul.f32 v8, v4;
	v51 =	vld [tilespmem:s9+$0x19F0]  }
0x109: {  	v0 =	vmul.f32 v8, v0;
	v5 =	vadd.f32 v27, v24;
	v6 =	vadd.f32 v13, v21  }
0x10a: {  	v1 =	vmax.f32 v1, $0.0e+00;
	v2 =	vadd.f32 v2, v22;
	v7 =	vadd.f32 v12, v20  }
0x10b: {  	[tilespmem:s9+$0x1980] =	vst v1;
	v52 =	vmax.f32 v5, $0.0e+00;
	v53 =	vadd.f32 v6, v18;
	v54 =	vadd.f32 v11, v19  }
0x10c: {  	[tilespmem:s9+$0x1990] =	vst v52;
	v55 =	vmax.f32 v2, $0.0e+00;
	v56 =	vadd.f32 v7, v16;
	v57 =	vadd.f32 v10, v17  }
0x10d: {  	[tilespmem:s9+$0x19A0] =	vst v55;
	v58 =	vmax.f32 v53, $0.0e+00;
	v59 =	vadd.f32 v54, v15;
	v4 =	vadd.f32 v9, v51  }
0x10e: {  	[tilespmem:s9+$0x19B0] =	vst v58;
	v60 =	vmax.f32 v56, $0.0e+00;
	v61 =	vadd.f32 v57, v3  }
0x10f: {  	[tilespmem:s9+$0x19C0] =	vst v60;
	v62 =	vmax.f32 v59, $0.0e+00;
	v0 =	vadd.f32 v4, v0  }
0x110: {  	[tilespmem:s9+$0x19D0] =	vst v62;
	v63 =	vmax.f32 v61, $0.0e+00  }
0x111: {  	[tilespmem:s9+$0x19E0] =	vst v63;
	v0 =	vmax.f32 v0, $0.0e+00  }
0x112: {  	[tilespmem:s9+$0x19F0] =	vst v0  }
0x113: {  	[spmem:s2] =	stream.indirect.scatter.add.f32 [tilespmem:s30], [sflag:$0x7], $0x80, s25, s29, $0xb8;
	[tilespmem:$0x1D380] =	vst v63  }
0x114: {  	_ =	swait.ge [sflag:s22], $0x1800  }
0x115: {  	[sflag:s22] =	ssyncset.done $0x0  }
0x116: {  	[sflag:s22] =	ssyncadd.s32 $0xFFFFE800  }
0x117: {  	[bflag:$0x0] =	sbarrier.arrive $0xFFFF  }
0x118: {  	s16 =	rddreg [dreg:$0x5]  }
0x119: {  	s21 =	rddreg [dreg:$0xb]  }
0x11a: {  	s11 =	rddreg [dreg:$0xd]  }
0x11b: {  	[hbm:s21], [sflag:s16] =	dma.local [spmem:s11], $0x2800  }
0x11c: {  	_ =	swait.ge [sflag:s22], $0x2800  }
0x11d: {  	s21 =	rddreg [dreg:$0xe]  }
0x11e: {  	s26 =	rddreg [dreg:$0xc];
	s21 =	sadd.s32 $0x1, s21  }
0x11f: {  	p0 =	sne.s32 s21, s26  }
.Ltmp4:
0x120: {  	_ = 	snop;
	(pc) =	sbr.rel @p0 .LBB2_1-.Ltmp4, $3  }
0x121: {  	_ =	sdelay $0x1  }
0x122: {  	[sflag:s22] =	ssyncset.done $0x0  }
0x123: {  	[sflag:s22] =	ssyncadd.s32 $0xFFFFD800  }
0x124: {  	_ =	sfence.sel $0x180000  }
0x125: {  	[bflag:$0x0] =	sbarrier.arrive $0xFFFF  }
0x126: {  	_ =	strace $0x90000047  }
0x127: {  	s0 =	stileid.u32;
	[bflag:$0x2] =	sbarrier.arrive $0xFFFF  }
0x128: {  	p0 =	sne.s32 s0, $0x0;
	s0 =	rddreg [dreg:$0x3]  }
0x129: {  	s0 =	sadd.s32 @!p0 $0x100000, s0  }
0x12a: {  	[sflag:s0] =	ssyncadd.tile.s32 @!p0 $0x1;
	_ =	shalt  }
.Lfunc_end2:
_tile_overlayer_lowered:
.L_overlay_start_2:
0x12b: {  	(tag) =	ssettag $0x2  }
0x12c: {  	s0 =	rddreg [dreg:$0x0];
	s2 =	stileid.u32  }
0x12d: {  	s1 =	rddreg [dreg:$0x1];
	p0 =	sne.s32 s2, $0x0  }
0x12e: {  	s3 =	rddreg [dreg:$0x2];
	[bflag:$0x3] =	sbarrier.arrive $0xFFFF;
	s2 =	simm.s32 @!p0 $0x1C07  }
0x12f: {  	[timem:s3], [sflag:s2] =	dma.local @!p0 [hbm:s0], s1  }
0x130: {  	s0 =	simm.s32 @!p0 $0x7  }
0x131: {  	_ =	swait.ge @!p0 [sflag:s0], s1  }
0x132: {  	s1 =	ssub.s32 @!p0 $0x0, s1;
	[sflag:s0] =	ssyncset.done @!p0 $0x0  }
0x133: {  	[sflag:s0] =	ssyncadd.s32 @!p0 s1  }
0x134: {  	[bflag:$0x3] =	sbarrier.arrive $0xFFFF  }
0x135: {  	_ =	shalt  }

</sc_bundles>
